<compile_context>
chip_gen: v7x
topology: tpu7x:2x2x1
jax: 0.10.2.dev20260603
libtpu: 0.0.44.dev20260713+nightly
codegen_flags: <defaults>
</compile_context>

<pallas_src>
import functools

import jax
import jax.numpy as jnp
from jax import lax
from jax.experimental import pallas as pl
from jax.experimental.pallas import tpu as pltpu
from jax.experimental.pallas import tpu_sc as plsc

PAD_IDX = 0

_NUM_CORES = 2
_NUM_SUBCORES = 16
_NW = _NUM_CORES * _NUM_SUBCORES

_NBUF = 5


def _mask_body(idx_ref, mask_ref):
    mask_ref[...] = (idx_ref[...] != PAD_IDX).astype(jnp.int32)


@functools.lru_cache(maxsize=None)
def _make_gather(batch, seq, vocab, dim):
    assert batch % _NW == 0
    rows_per_w = batch // _NW
    assert seq % _NBUF == 0 and seq >= 2 * _NBUF
    main_iters = seq // _NBUF - 1

    mesh = plsc.VectorSubcoreMesh(
        core_axis_name="c",
        subcore_axis_name="s",
        num_cores=_NUM_CORES,
        num_subcores=_NUM_SUBCORES,
    )

    @functools.partial(
        pl.kernel,
        mesh=mesh,
        out_type=jax.ShapeDtypeStruct((seq, batch, dim), jnp.float32),
        scratch_types=[
            pltpu.VMEM((seq, rows_per_w), jnp.int32),
            pltpu.VMEM((_NBUF, rows_per_w, dim), jnp.float32),
            [pltpu.SemaphoreType.DMA] * _NBUF,
            [pltpu.SemaphoreType.DMA] * _NBUF,
        ],
    )
    def gather_kernel(idx_hbm, table_hbm, out_hbm, idx_v, rows_v, gsems, wsems):
        wid = lax.axis_index("s") * _NUM_CORES + lax.axis_index("c")
        row0 = wid * rows_per_w
        pltpu.sync_copy(idx_hbm.at[wid], idx_v)

        def g_copy(b, c):
            return pltpu.make_async_copy(
                table_hbm.at[idx_v.at[c]], rows_v.at[b], gsems[b]
            )

        def w_copy(b, c):
            return pltpu.make_async_copy(
                rows_v.at[b],
                out_hbm.at[c].at[pl.ds(row0, rows_per_w)],
                wsems[b],
            )

        for b in range(_NBUF):
            g_copy(b, b).start()

        def body(j, carry):
            g = j * _NBUF
            for b in range(_NBUF):
                c = g + b
                g_copy(b, c).wait()
                w_copy(b, c).start()
                w_copy(b, c).wait()
                g_copy(b, c + _NBUF).start()
            return carry

        lax.fori_loop(0, main_iters, body, 0)

        tail = seq - _NBUF
        for b in range(_NBUF):
            g_copy(b, tail + b).wait()
            w_copy(b, tail + b).start()
        for b in range(_NBUF):
            w_copy(b, tail + b).wait()

    return gather_kernel


def kernel(indices, table):
    batch, seq = indices.shape
    vocab, dim = table.shape
    rows_per_w = batch // _NW
    idx3d = indices.T.reshape(seq, _NW, rows_per_w).transpose(1, 0, 2)

    out_sbd = _make_gather(batch, seq, vocab, dim)(idx3d, table)
    encoded = out_sbd.transpose(1, 0, 2)

    mask = pl.pallas_call(
        _mask_body,
        out_shape=jax.ShapeDtypeStruct((batch, seq), jnp.int32),
    )(indices)
    return encoded, mask

# --- scband reference (transcript-rebuilt; emitter-appended) ---
"""Pipeline reference for scband-glo-ve-embedder-5781025980948 (READ-ONLY COPY).

The authoritative reference and input builder live on the scoring server;
editing this copy changes nothing except your own understanding.
"""

import jax, jax.numpy as jnp
import numpy as np

VOCAB = 100000
EMB_DIM = 128
BATCH = 4096
SEQ_LEN = 50
PAD_IDX = 0

def setup_inputs(seed: int = 0) -> dict:
    key = jax.random.key(seed)
    k_idx, k_tab = jax.random.split(key)
    indices = jax.random.randint(k_idx, (BATCH, SEQ_LEN), 0, VOCAB, dtype=jnp.int64 if jax.config.read('jax_enable_x64') else jnp.int32)
    table = jax.random.normal(k_tab, (VOCAB, EMB_DIM), dtype=jnp.float32) * 0.1
    # row 0 is PAD -> zero vector, row 1 is UNK -> mean of rest (faithful to GloVeEmbedder init)
    table = table.at[0].set(jnp.zeros((EMB_DIM,), dtype=jnp.float32))
    table = table.at[1].set(jnp.mean(table[2:], axis=0))
    return {"indices": indices, "table": table}

def reference(indices, table):
    # Faithful translation of GloVeEmbedder.forward: pad/encode already done as
    # integer indices; lookup into pretrained (trainable) embedding table and
    # produce a mask of non-pad positions.
    encoded = jnp.take(table, indices, axis=0)            # [B, L, D] embedding gather
    mask = (indices != PAD_IDX).astype(jnp.int32)         # [B, L] long mask in torch
    return encoded, mask

if __name__ == "__main__":
    import jax
    _d = setup_inputs()
    print(jax.jit(kernel)(*tuple(_d.values())))

</pallas_src>

<mosaic_0001>
#map = affine_map<(d0, d1) -> (0, 0, 0)>
#map1 = affine_map<(d0, d1) -> (0, 0)>
module attributes {stable_mosaic.version = 14 : i64} {
  func.func @gather_kernel(%arg0: i32, %arg1: i32, %arg2: memref<32x50x128xi32, #tpu.memory_space<hbm>>, %arg3: memref<100000x128xf32, #tpu.memory_space<hbm>>, %arg4: memref<50x4096x128xf32, #tpu.memory_space<hbm>>, %arg5: memref<50x128xi32, #tpu.memory_space<vmem>>, %arg6: memref<5x128x128xf32, #tpu.memory_space<vmem>>, %arg7: memref<!tpu.dma_semaphore, #tpu.memory_space<semaphore_mem>>, %arg8: memref<!tpu.dma_semaphore, #tpu.memory_space<semaphore_mem>>, %arg9: memref<!tpu.dma_semaphore, #tpu.memory_space<semaphore_mem>>, %arg10: memref<!tpu.dma_semaphore, #tpu.memory_space<semaphore_mem>>, %arg11: memref<!tpu.dma_semaphore, #tpu.memory_space<semaphore_mem>>, %arg12: memref<!tpu.dma_semaphore, #tpu.memory_space<semaphore_mem>>, %arg13: memref<!tpu.dma_semaphore, #tpu.memory_space<semaphore_mem>>, %arg14: memref<!tpu.dma_semaphore, #tpu.memory_space<semaphore_mem>>, %arg15: memref<!tpu.dma_semaphore, #tpu.memory_space<semaphore_mem>>, %arg16: memref<!tpu.dma_semaphore, #tpu.memory_space<semaphore_mem>>) attributes {dimension_semantics = [#tpu.dimension_semantics<core_parallel>, #tpu.dimension_semantics<subcore_parallel>], iteration_bounds = array<i64: 2, 16>, scalar_prefetch = 0 : i64, scratch_operands = 12 : i64, tpu.core_type = #tpu.core_type<sc_vector_subcore>, window_params = [{transform_indices = #map}, {transform_indices = #map1}, {transform_indices = #map}]} {
    %mul3A = arith.constant 2 : i32
    %mul3A_0 = arith.muli %arg1, %mul3A : i32
    %add3A = arith.addi %mul3A_0, %arg0 : i32
    %mul3A_1 = arith.constant 128 : i32
    %mul3A_2 = arith.muli %add3A, %mul3A_1 : i32
    "tpu.region"() ({
      %run_scoped3A = tpu.sem_alloc : memref<!tpu.dma_semaphore, #tpu.memory_space<semaphore_mem>>
      %dma_start3A_346 = arith.constant 0 : i32
      %dma_start3A_347 = arith.constant 0 : i32
      %dma_start3A_348 = tpu.memref_slice %arg2[%add3A, %dma_start3A_346, %dma_start3A_347] : memref<32x50x128xi32, #tpu.memory_space<hbm>> -> memref<1x50x128xi32, #tpu.memory_space<hbm>>
      %dma_start3A_349 = tpu.memref_squeeze %dma_start3A_348 : memref<1x50x128xi32, #tpu.memory_space<hbm>> -> memref<50x128xi32, #tpu.memory_space<hbm>>
      %dma_start3A_350 = arith.constant 0 : i32
      %dma_start3A_351 = arith.constant 0 : i32
      %dma_start3A_352 = tpu.memref_slice %arg2[%add3A, %dma_start3A_350, %dma_start3A_351] : memref<32x50x128xi32, #tpu.memory_space<hbm>> -> memref<1x50x128xi32, #tpu.memory_space<hbm>>
      %dma_start3A_353 = tpu.memref_squeeze %dma_start3A_352 : memref<1x50x128xi32, #tpu.memory_space<hbm>> -> memref<50x128xi32, #tpu.memory_space<hbm>>
      tpu.enqueue_dma source(%dma_start3A_353 : memref<50x128xi32, #tpu.memory_space<hbm>>) target(%arg5 : memref<50x128xi32, #tpu.memory_space<vmem>>) target_semaphore(%run_scoped3A : memref<!tpu.dma_semaphore, #tpu.memory_space<semaphore_mem>>)
      %dma_wait3A_354 = arith.constant 0 : i32
      %dma_wait3A_355 = arith.constant 0 : i32
      %dma_wait3A_356 = tpu.memref_slice %arg2[%add3A, %dma_wait3A_354, %dma_wait3A_355] : memref<32x50x128xi32, #tpu.memory_space<hbm>> -> memref<1x50x128xi32, #tpu.memory_space<hbm>>
      %dma_wait3A_357 = tpu.memref_squeeze %dma_wait3A_356 : memref<1x50x128xi32, #tpu.memory_space<hbm>> -> memref<50x128xi32, #tpu.memory_space<hbm>>
      %dma_wait3A_358 = arith.constant 0 : i32
      %dma_wait3A_359 = arith.constant 0 : i32
      %dma_wait3A_360 = tpu.memref_slice %arg2[%add3A, %dma_wait3A_358, %dma_wait3A_359] : memref<32x50x128xi32, #tpu.memory_space<hbm>> -> memref<1x50x128xi32, #tpu.memory_space<hbm>>
      %dma_wait3A_361 = tpu.memref_squeeze %dma_wait3A_360 : memref<1x50x128xi32, #tpu.memory_space<hbm>> -> memref<50x128xi32, #tpu.memory_space<hbm>>
      tpu.wait_dma2 semaphore(%run_scoped3A : memref<!tpu.dma_semaphore, #tpu.memory_space<semaphore_mem>>) src(%dma_wait3A_361 : memref<50x128xi32, #tpu.memory_space<hbm>>) dst(%arg5 : memref<50x128xi32, #tpu.memory_space<vmem>>)
      tpu.yield
    }) : () -> ()
    %dma_start3A = arith.constant 0 : i32
    %dma_start3A_3 = arith.constant 0 : i32
    %dma_start3A_4 = arith.constant 0 : i32
    %dma_start3A_5 = arith.constant 0 : i32
    %dma_start3A_6 = tpu.memref_slice %arg6[%dma_start3A_3, %dma_start3A_4, %dma_start3A_5] : memref<5x128x128xf32, #tpu.memory_space<vmem>> -> memref<1x128x128xf32, #tpu.memory_space<vmem>>
    %dma_start3A_7 = tpu.memref_squeeze %dma_start3A_6 : memref<1x128x128xf32, #tpu.memory_space<vmem>> -> memref<128x128xf32, #tpu.memory_space<vmem>>
    %dma_start3A_8 = arith.constant 0 : i32
    %dma_start3A_9 = tpu.memref_slice %arg5[%dma_start3A, %dma_start3A_8] : memref<50x128xi32, #tpu.memory_space<vmem>> -> memref<1x128xi32, #tpu.memory_space<vmem>>
    %dma_start3A_10 = tpu.memref_squeeze %dma_start3A_9 : memref<1x128xi32, #tpu.memory_space<vmem>> -> memref<128xi32, #tpu.memory_space<vmem>>
    %dma_start3A_11 = arith.constant 0 : i32
    %dma_start3A_12 = arith.constant 0 : i32
    %dma_start3A_13 = tpu.memref_slice %arg3[%dma_start3A_11, %dma_start3A_12] : memref<100000x128xf32, #tpu.memory_space<hbm>> -> memref<100000x128xf32, #tpu.memory_space<hbm>>
    tpu.enqueue_indirect_dma source(%dma_start3A_13 : memref<100000x128xf32, #tpu.memory_space<hbm>>) target(%dma_start3A_7 : memref<128x128xf32, #tpu.memory_space<vmem>>) offsets(%dma_start3A_10 : memref<128xi32, #tpu.memory_space<vmem>>) semaphore(%arg7 : memref<!tpu.dma_semaphore, #tpu.memory_space<semaphore_mem>>)
    %dma_start3A_14 = arith.constant 1 : i32
    %dma_start3A_15 = arith.constant 1 : i32
    %dma_start3A_16 = arith.constant 0 : i32
    %dma_start3A_17 = arith.constant 0 : i32
    %dma_start3A_18 = tpu.memref_slice %arg6[%dma_start3A_15, %dma_start3A_16, %dma_start3A_17] : memref<5x128x128xf32, #tpu.memory_space<vmem>> -> memref<1x128x128xf32, #tpu.memory_space<vmem>>
    %dma_start3A_19 = tpu.memref_squeeze %dma_start3A_18 : memref<1x128x128xf32, #tpu.memory_space<vmem>> -> memref<128x128xf32, #tpu.memory_space<vmem>>
    %dma_start3A_20 = arith.constant 0 : i32
    %dma_start3A_21 = tpu.memref_slice %arg5[%dma_start3A_14, %dma_start3A_20] : memref<50x128xi32, #tpu.memory_space<vmem>> -> memref<1x128xi32, #tpu.memory_space<vmem>>
    %dma_start3A_22 = tpu.memref_squeeze %dma_start3A_21 : memref<1x128xi32, #tpu.memory_space<vmem>> -> memref<128xi32, #tpu.memory_space<vmem>>
    %dma_start3A_23 = arith.constant 0 : i32
    %dma_start3A_24 = arith.constant 0 : i32
    %dma_start3A_25 = tpu.memref_slice %arg3[%dma_start3A_23, %dma_start3A_24] : memref<100000x128xf32, #tpu.memory_space<hbm>> -> memref<100000x128xf32, #tpu.memory_space<hbm>>
    tpu.enqueue_indirect_dma source(%dma_start3A_25 : memref<100000x128xf32, #tpu.memory_space<hbm>>) target(%dma_start3A_19 : memref<128x128xf32, #tpu.memory_space<vmem>>) offsets(%dma_start3A_22 : memref<128xi32, #tpu.memory_space<vmem>>) semaphore(%arg8 : memref<!tpu.dma_semaphore, #tpu.memory_space<semaphore_mem>>)
    %dma_start3A_26 = arith.constant 2 : i32
    %dma_start3A_27 = arith.constant 2 : i32
    %dma_start3A_28 = arith.constant 0 : i32
    %dma_start3A_29 = arith.constant 0 : i32
    %dma_start3A_30 = tpu.memref_slice %arg6[%dma_start3A_27, %dma_start3A_28, %dma_start3A_29] : memref<5x128x128xf32, #tpu.memory_space<vmem>> -> memref<1x128x128xf32, #tpu.memory_space<vmem>>
    %dma_start3A_31 = tpu.memref_squeeze %dma_start3A_30 : memref<1x128x128xf32, #tpu.memory_space<vmem>> -> memref<128x128xf32, #tpu.memory_space<vmem>>
    %dma_start3A_32 = arith.constant 0 : i32
    %dma_start3A_33 = tpu.memref_slice %arg5[%dma_start3A_26, %dma_start3A_32] : memref<50x128xi32, #tpu.memory_space<vmem>> -> memref<1x128xi32, #tpu.memory_space<vmem>>
    %dma_start3A_34 = tpu.memref_squeeze %dma_start3A_33 : memref<1x128xi32, #tpu.memory_space<vmem>> -> memref<128xi32, #tpu.memory_space<vmem>>
    %dma_start3A_35 = arith.constant 0 : i32
    %dma_start3A_36 = arith.constant 0 : i32
    %dma_start3A_37 = tpu.memref_slice %arg3[%dma_start3A_35, %dma_start3A_36] : memref<100000x128xf32, #tpu.memory_space<hbm>> -> memref<100000x128xf32, #tpu.memory_space<hbm>>
    tpu.enqueue_indirect_dma source(%dma_start3A_37 : memref<100000x128xf32, #tpu.memory_space<hbm>>) target(%dma_start3A_31 : memref<128x128xf32, #tpu.memory_space<vmem>>) offsets(%dma_start3A_34 : memref<128xi32, #tpu.memory_space<vmem>>) semaphore(%arg9 : memref<!tpu.dma_semaphore, #tpu.memory_space<semaphore_mem>>)
    %dma_start3A_38 = arith.constant 3 : i32
    %dma_start3A_39 = arith.constant 3 : i32
    %dma_start3A_40 = arith.constant 0 : i32
    %dma_start3A_41 = arith.constant 0 : i32
    %dma_start3A_42 = tpu.memref_slice %arg6[%dma_start3A_39, %dma_start3A_40, %dma_start3A_41] : memref<5x128x128xf32, #tpu.memory_space<vmem>> -> memref<1x128x128xf32, #tpu.memory_space<vmem>>
    %dma_start3A_43 = tpu.memref_squeeze %dma_start3A_42 : memref<1x128x128xf32, #tpu.memory_space<vmem>> -> memref<128x128xf32, #tpu.memory_space<vmem>>
    %dma_start3A_44 = arith.constant 0 : i32
    %dma_start3A_45 = tpu.memref_slice %arg5[%dma_start3A_38, %dma_start3A_44] : memref<50x128xi32, #tpu.memory_space<vmem>> -> memref<1x128xi32, #tpu.memory_space<vmem>>
    %dma_start3A_46 = tpu.memref_squeeze %dma_start3A_45 : memref<1x128xi32, #tpu.memory_space<vmem>> -> memref<128xi32, #tpu.memory_space<vmem>>
    %dma_start3A_47 = arith.constant 0 : i32
    %dma_start3A_48 = arith.constant 0 : i32
    %dma_start3A_49 = tpu.memref_slice %arg3[%dma_start3A_47, %dma_start3A_48] : memref<100000x128xf32, #tpu.memory_space<hbm>> -> memref<100000x128xf32, #tpu.memory_space<hbm>>
    tpu.enqueue_indirect_dma source(%dma_start3A_49 : memref<100000x128xf32, #tpu.memory_space<hbm>>) target(%dma_start3A_43 : memref<128x128xf32, #tpu.memory_space<vmem>>) offsets(%dma_start3A_46 : memref<128xi32, #tpu.memory_space<vmem>>) semaphore(%arg10 : memref<!tpu.dma_semaphore, #tpu.memory_space<semaphore_mem>>)
    %dma_start3A_50 = arith.constant 4 : i32
    %dma_start3A_51 = arith.constant 4 : i32
    %dma_start3A_52 = arith.constant 0 : i32
    %dma_start3A_53 = arith.constant 0 : i32
    %dma_start3A_54 = tpu.memref_slice %arg6[%dma_start3A_51, %dma_start3A_52, %dma_start3A_53] : memref<5x128x128xf32, #tpu.memory_space<vmem>> -> memref<1x128x128xf32, #tpu.memory_space<vmem>>
    %dma_start3A_55 = tpu.memref_squeeze %dma_start3A_54 : memref<1x128x128xf32, #tpu.memory_space<vmem>> -> memref<128x128xf32, #tpu.memory_space<vmem>>
    %dma_start3A_56 = arith.constant 0 : i32
    %dma_start3A_57 = tpu.memref_slice %arg5[%dma_start3A_50, %dma_start3A_56] : memref<50x128xi32, #tpu.memory_space<vmem>> -> memref<1x128xi32, #tpu.memory_space<vmem>>
    %dma_start3A_58 = tpu.memref_squeeze %dma_start3A_57 : memref<1x128xi32, #tpu.memory_space<vmem>> -> memref<128xi32, #tpu.memory_space<vmem>>
    %dma_start3A_59 = arith.constant 0 : i32
    %dma_start3A_60 = arith.constant 0 : i32
    %dma_start3A_61 = tpu.memref_slice %arg3[%dma_start3A_59, %dma_start3A_60] : memref<100000x128xf32, #tpu.memory_space<hbm>> -> memref<100000x128xf32, #tpu.memory_space<hbm>>
    tpu.enqueue_indirect_dma source(%dma_start3A_61 : memref<100000x128xf32, #tpu.memory_space<hbm>>) target(%dma_start3A_55 : memref<128x128xf32, #tpu.memory_space<vmem>>) offsets(%dma_start3A_58 : memref<128xi32, #tpu.memory_space<vmem>>) semaphore(%arg11 : memref<!tpu.dma_semaphore, #tpu.memory_space<semaphore_mem>>)
    %scan3A = arith.constant 0 : i32
    %scan3A_62 = arith.constant 0 : i32
    %scan3A_63 = arith.constant 9 : i32
    %scan3A_64 = arith.addi %scan3A_62, %scan3A_63 : i32
    %scan3A_65 = arith.constant 1 : i32
    scf.for %scan3A_346 = %scan3A_62 to %scan3A_64 step %scan3A_65  : i32 {
      %mul3A_347 = arith.constant 5 : i32
      %mul3A_348 = arith.muli %scan3A_346, %mul3A_347 : i32
      %add3A_349 = arith.constant 0 : i32
      %add3A_350 = arith.addi %mul3A_348, %add3A_349 : i32
      %dma_wait3A_351 = arith.constant 0 : i32
      %dma_wait3A_352 = arith.constant 0 : i32
      %dma_wait3A_353 = arith.constant 0 : i32
      %dma_wait3A_354 = tpu.memref_slice %arg6[%dma_wait3A_351, %dma_wait3A_352, %dma_wait3A_353] : memref<5x128x128xf32, #tpu.memory_space<vmem>> -> memref<1x128x128xf32, #tpu.memory_space<vmem>>
      %dma_wait3A_355 = tpu.memref_squeeze %dma_wait3A_354 : memref<1x128x128xf32, #tpu.memory_space<vmem>> -> memref<128x128xf32, #tpu.memory_space<vmem>>
      %dma_wait3A_356 = arith.constant 0 : i32
      %dma_wait3A_357 = tpu.memref_slice %arg5[%add3A_350, %dma_wait3A_356] : memref<50x128xi32, #tpu.memory_space<vmem>> -> memref<1x128xi32, #tpu.memory_space<vmem>>
      %dma_wait3A_358 = tpu.memref_squeeze %dma_wait3A_357 : memref<1x128xi32, #tpu.memory_space<vmem>> -> memref<128xi32, #tpu.memory_space<vmem>>
      %dma_wait3A_359 = arith.constant 0 : i32
      %dma_wait3A_360 = arith.constant 0 : i32
      %dma_wait3A_361 = tpu.memref_slice %arg3[%dma_wait3A_359, %dma_wait3A_360] : memref<100000x128xf32, #tpu.memory_space<hbm>> -> memref<100000x128xf32, #tpu.memory_space<hbm>>
      tpu.wait_indirect_dma semaphore(%arg7 : memref<!tpu.dma_semaphore, #tpu.memory_space<semaphore_mem>>) src(%dma_wait3A_361 : memref<100000x128xf32, #tpu.memory_space<hbm>>) dst(%dma_wait3A_355 : memref<128x128xf32, #tpu.memory_space<vmem>>)
      %dma_start3A_362 = arith.constant 0 : i32
      %dma_start3A_363 = arith.constant 0 : i32
      %dma_start3A_364 = arith.constant 0 : i32
      %dma_start3A_365 = tpu.memref_slice %arg6[%dma_start3A_362, %dma_start3A_363, %dma_start3A_364] : memref<5x128x128xf32, #tpu.memory_space<vmem>> -> memref<1x128x128xf32, #tpu.memory_space<vmem>>
      %dma_start3A_366 = tpu.memref_squeeze %dma_start3A_365 : memref<1x128x128xf32, #tpu.memory_space<vmem>> -> memref<128x128xf32, #tpu.memory_space<vmem>>
      %dma_start3A_367 = arith.constant 0 : i32
      %dma_start3A_368 = arith.constant 0 : i32
      %dma_start3A_369 = tpu.memref_slice %arg4[%add3A_350, %dma_start3A_367, %dma_start3A_368] : memref<50x4096x128xf32, #tpu.memory_space<hbm>> -> memref<1x4096x128xf32, #tpu.memory_space<hbm>>
      %dma_start3A_370 = tpu.memref_squeeze %dma_start3A_369 : memref<1x4096x128xf32, #tpu.memory_space<hbm>> -> memref<4096x128xf32, #tpu.memory_space<hbm>>
      %dma_start3A_371 = arith.constant 0 : i32
      %dma_start3A_372 = tpu.memref_slice %dma_start3A_370[%mul3A_2, %dma_start3A_371] : memref<4096x128xf32, #tpu.memory_space<hbm>> -> memref<128x128xf32, #tpu.memory_space<hbm>>
      %dma_start3A_373 = arith.constant 0 : i32
      %dma_start3A_374 = arith.constant 0 : i32
      %dma_start3A_375 = tpu.memref_slice %arg4[%add3A_350, %dma_start3A_373, %dma_start3A_374] : memref<50x4096x128xf32, #tpu.memory_space<hbm>> -> memref<1x4096x128xf32, #tpu.memory_space<hbm>>
      %dma_start3A_376 = tpu.memref_squeeze %dma_start3A_375 : memref<1x4096x128xf32, #tpu.memory_space<hbm>> -> memref<4096x128xf32, #tpu.memory_space<hbm>>
      %dma_start3A_377 = arith.constant 0 : i32
      %dma_start3A_378 = tpu.memref_slice %dma_start3A_376[%mul3A_2, %dma_start3A_377] : memref<4096x128xf32, #tpu.memory_space<hbm>> -> memref<128x128xf32, #tpu.memory_space<hbm>>
      %dma_start3A_379 = arith.constant 0 : i32
      %dma_start3A_380 = arith.constant 0 : i32
      %dma_start3A_381 = tpu.memref_slice %arg6[%dma_start3A_362, %dma_start3A_379, %dma_start3A_380] : memref<5x128x128xf32, #tpu.memory_space<vmem>> -> memref<1x128x128xf32, #tpu.memory_space<vmem>>
      %dma_start3A_382 = tpu.memref_squeeze %dma_start3A_381 : memref<1x128x128xf32, #tpu.memory_space<vmem>> -> memref<128x128xf32, #tpu.memory_space<vmem>>
      tpu.enqueue_dma source(%dma_start3A_382 : memref<128x128xf32, #tpu.memory_space<vmem>>) target(%dma_start3A_378 : memref<128x128xf32, #tpu.memory_space<hbm>>) target_semaphore(%arg12 : memref<!tpu.dma_semaphore, #tpu.memory_space<semaphore_mem>>)
      %dma_wait3A_383 = arith.constant 0 : i32
      %dma_wait3A_384 = arith.constant 0 : i32
      %dma_wait3A_385 = arith.constant 0 : i32
      %dma_wait3A_386 = tpu.memref_slice %arg6[%dma_wait3A_383, %dma_wait3A_384, %dma_wait3A_385] : memref<5x128x128xf32, #tpu.memory_space<vmem>> -> memref<1x128x128xf32, #tpu.memory_space<vmem>>
      %dma_wait3A_387 = tpu.memref_squeeze %dma_wait3A_386 : memref<1x128x128xf32, #tpu.memory_space<vmem>> -> memref<128x128xf32, #tpu.memory_space<vmem>>
      %dma_wait3A_388 = arith.constant 0 : i32
      %dma_wait3A_389 = arith.constant 0 : i32
      %dma_wait3A_390 = tpu.memref_slice %arg4[%add3A_350, %dma_wait3A_388, %dma_wait3A_389] : memref<50x4096x128xf32, #tpu.memory_space<hbm>> -> memref<1x4096x128xf32, #tpu.memory_space<hbm>>
      %dma_wait3A_391 = tpu.memref_squeeze %dma_wait3A_390 : memref<1x4096x128xf32, #tpu.memory_space<hbm>> -> memref<4096x128xf32, #tpu.memory_space<hbm>>
      %dma_wait3A_392 = arith.constant 0 : i32
      %dma_wait3A_393 = tpu.memref_slice %dma_wait3A_391[%mul3A_2, %dma_wait3A_392] : memref<4096x128xf32, #tpu.memory_space<hbm>> -> memref<128x128xf32, #tpu.memory_space<hbm>>
      %dma_wait3A_394 = arith.constant 0 : i32
      %dma_wait3A_395 = arith.constant 0 : i32
      %dma_wait3A_396 = tpu.memref_slice %arg4[%add3A_350, %dma_wait3A_394, %dma_wait3A_395] : memref<50x4096x128xf32, #tpu.memory_space<hbm>> -> memref<1x4096x128xf32, #tpu.memory_space<hbm>>
      %dma_wait3A_397 = tpu.memref_squeeze %dma_wait3A_396 : memref<1x4096x128xf32, #tpu.memory_space<hbm>> -> memref<4096x128xf32, #tpu.memory_space<hbm>>
      %dma_wait3A_398 = arith.constant 0 : i32
      %dma_wait3A_399 = tpu.memref_slice %dma_wait3A_397[%mul3A_2, %dma_wait3A_398] : memref<4096x128xf32, #tpu.memory_space<hbm>> -> memref<128x128xf32, #tpu.memory_space<hbm>>
      %dma_wait3A_400 = arith.constant 0 : i32
      %dma_wait3A_401 = arith.constant 0 : i32
      %dma_wait3A_402 = tpu.memref_slice %arg6[%dma_wait3A_383, %dma_wait3A_400, %dma_wait3A_401] : memref<5x128x128xf32, #tpu.memory_space<vmem>> -> memref<1x128x128xf32, #tpu.memory_space<vmem>>
      %dma_wait3A_403 = tpu.memref_squeeze %dma_wait3A_402 : memref<1x128x128xf32, #tpu.memory_space<vmem>> -> memref<128x128xf32, #tpu.memory_space<vmem>>
      tpu.wait_dma2 semaphore(%arg12 : memref<!tpu.dma_semaphore, #tpu.memory_space<semaphore_mem>>) src(%dma_wait3A_403 : memref<128x128xf32, #tpu.memory_space<vmem>>) dst(%dma_wait3A_399 : memref<128x128xf32, #tpu.memory_space<hbm>>)
      %add3A_404 = arith.constant 5 : i32
      %add3A_405 = arith.addi %add3A_350, %add3A_404 : i32
      %dma_start3A_406 = arith.constant 0 : i32
      %dma_start3A_407 = arith.constant 0 : i32
      %dma_start3A_408 = arith.constant 0 : i32
      %dma_start3A_409 = tpu.memref_slice %arg6[%dma_start3A_406, %dma_start3A_407, %dma_start3A_408] : memref<5x128x128xf32, #tpu.memory_space<vmem>> -> memref<1x128x128xf32, #tpu.memory_space<vmem>>
      %dma_start3A_410 = tpu.memref_squeeze %dma_start3A_409 : memref<1x128x128xf32, #tpu.memory_space<vmem>> -> memref<128x128xf32, #tpu.memory_space<vmem>>
      %dma_start3A_411 = arith.constant 0 : i32
      %dma_start3A_412 = tpu.memref_slice %arg5[%add3A_405, %dma_start3A_411] : memref<50x128xi32, #tpu.memory_space<vmem>> -> memref<1x128xi32, #tpu.memory_space<vmem>>
      %dma_start3A_413 = tpu.memref_squeeze %dma_start3A_412 : memref<1x128xi32, #tpu.memory_space<vmem>> -> memref<128xi32, #tpu.memory_space<vmem>>
      %dma_start3A_414 = arith.constant 0 : i32
      %dma_start3A_415 = arith.constant 0 : i32
      %dma_start3A_416 = tpu.memref_slice %arg3[%dma_start3A_414, %dma_start3A_415] : memref<100000x128xf32, #tpu.memory_space<hbm>> -> memref<100000x128xf32, #tpu.memory_space<hbm>>
      tpu.enqueue_indirect_dma source(%dma_start3A_416 : memref<100000x128xf32, #tpu.memory_space<hbm>>) target(%dma_start3A_410 : memref<128x128xf32, #tpu.memory_space<vmem>>) offsets(%dma_start3A_413 : memref<128xi32, #tpu.memory_space<vmem>>) semaphore(%arg7 : memref<!tpu.dma_semaphore, #tpu.memory_space<semaphore_mem>>)
      %add3A_417 = arith.constant 1 : i32
      %add3A_418 = arith.addi %mul3A_348, %add3A_417 : i32
      %dma_wait3A_419 = arith.constant 1 : i32
      %dma_wait3A_420 = arith.constant 0 : i32
      %dma_wait3A_421 = arith.constant 0 : i32
      %dma_wait3A_422 = tpu.memref_slice %arg6[%dma_wait3A_419, %dma_wait3A_420, %dma_wait3A_421] : memref<5x128x128xf32, #tpu.memory_space<vmem>> -> memref<1x128x128xf32, #tpu.memory_space<vmem>>
      %dma_wait3A_423 = tpu.memref_squeeze %dma_wait3A_422 : memref<1x128x128xf32, #tpu.memory_space<vmem>> -> memref<128x128xf32, #tpu.memory_space<vmem>>
      %dma_wait3A_424 = arith.constant 0 : i32
      %dma_wait3A_425 = tpu.memref_slice %arg5[%add3A_418, %dma_wait3A_424] : memref<50x128xi32, #tpu.memory_space<vmem>> -> memref<1x128xi32, #tpu.memory_space<vmem>>
      %dma_wait3A_426 = tpu.memref_squeeze %dma_wait3A_425 : memref<1x128xi32, #tpu.memory_space<vmem>> -> memref<128xi32, #tpu.memory_space<vmem>>
      %dma_wait3A_427 = arith.constant 0 : i32
      %dma_wait3A_428 = arith.constant 0 : i32
      %dma_wait3A_429 = tpu.memref_slice %arg3[%dma_wait3A_427, %dma_wait3A_428] : memref<100000x128xf32, #tpu.memory_space<hbm>> -> memref<100000x128xf32, #tpu.memory_space<hbm>>
      tpu.wait_indirect_dma semaphore(%arg8 : memref<!tpu.dma_semaphore, #tpu.memory_space<semaphore_mem>>) src(%dma_wait3A_429 : memref<100000x128xf32, #tpu.memory_space<hbm>>) dst(%dma_wait3A_423 : memref<128x128xf32, #tpu.memory_space<vmem>>)
      %dma_start3A_430 = arith.constant 1 : i32
      %dma_start3A_431 = arith.constant 0 : i32
      %dma_start3A_432 = arith.constant 0 : i32
      %dma_start3A_433 = tpu.memref_slice %arg6[%dma_start3A_430, %dma_start3A_431, %dma_start3A_432] : memref<5x128x128xf32, #tpu.memory_space<vmem>> -> memref<1x128x128xf32, #tpu.memory_space<vmem>>
      %dma_start3A_434 = tpu.memref_squeeze %dma_start3A_433 : memref<1x128x128xf32, #tpu.memory_space<vmem>> -> memref<128x128xf32, #tpu.memory_space<vmem>>
      %dma_start3A_435 = arith.constant 0 : i32
      %dma_start3A_436 = arith.constant 0 : i32
      %dma_start3A_437 = tpu.memref_slice %arg4[%add3A_418, %dma_start3A_435, %dma_start3A_436] : memref<50x4096x128xf32, #tpu.memory_space<hbm>> -> memref<1x4096x128xf32, #tpu.memory_space<hbm>>
      %dma_start3A_438 = tpu.memref_squeeze %dma_start3A_437 : memref<1x4096x128xf32, #tpu.memory_space<hbm>> -> memref<4096x128xf32, #tpu.memory_space<hbm>>
      %dma_start3A_439 = arith.constant 0 : i32
      %dma_start3A_440 = tpu.memref_slice %dma_start3A_438[%mul3A_2, %dma_start3A_439] : memref<4096x128xf32, #tpu.memory_space<hbm>> -> memref<128x128xf32, #tpu.memory_space<hbm>>
      %dma_start3A_441 = arith.constant 0 : i32
      %dma_start3A_442 = arith.constant 0 : i32
      %dma_start3A_443 = tpu.memref_slice %arg4[%add3A_418, %dma_start3A_441, %dma_start3A_442] : memref<50x4096x128xf32, #tpu.memory_space<hbm>> -> memref<1x4096x128xf32, #tpu.memory_space<hbm>>
      %dma_start3A_444 = tpu.memref_squeeze %dma_start3A_443 : memref<1x4096x128xf32, #tpu.memory_space<hbm>> -> memref<4096x128xf32, #tpu.memory_space<hbm>>
      %dma_start3A_445 = arith.constant 0 : i32
      %dma_start3A_446 = tpu.memref_slice %dma_start3A_444[%mul3A_2, %dma_start3A_445] : memref<4096x128xf32, #tpu.memory_space<hbm>> -> memref<128x128xf32, #tpu.memory_space<hbm>>
      %dma_start3A_447 = arith.constant 0 : i32
      %dma_start3A_448 = arith.constant 0 : i32
      %dma_start3A_449 = tpu.memref_slice %arg6[%dma_start3A_430, %dma_start3A_447, %dma_start3A_448] : memref<5x128x128xf32, #tpu.memory_space<vmem>> -> memref<1x128x128xf32, #tpu.memory_space<vmem>>
      %dma_start3A_450 = tpu.memref_squeeze %dma_start3A_449 : memref<1x128x128xf32, #tpu.memory_space<vmem>> -> memref<128x128xf32, #tpu.memory_space<vmem>>
      tpu.enqueue_dma source(%dma_start3A_450 : memref<128x128xf32, #tpu.memory_space<vmem>>) target(%dma_start3A_446 : memref<128x128xf32, #tpu.memory_space<hbm>>) target_semaphore(%arg13 : memref<!tpu.dma_semaphore, #tpu.memory_space<semaphore_mem>>)
      %dma_wait3A_451 = arith.constant 1 : i32
      %dma_wait3A_452 = arith.constant 0 : i32
      %dma_wait3A_453 = arith.constant 0 : i32
      %dma_wait3A_454 = tpu.memref_slice %arg6[%dma_wait3A_451, %dma_wait3A_452, %dma_wait3A_453] : memref<5x128x128xf32, #tpu.memory_space<vmem>> -> memref<1x128x128xf32, #tpu.memory_space<vmem>>
      %dma_wait3A_455 = tpu.memref_squeeze %dma_wait3A_454 : memref<1x128x128xf32, #tpu.memory_space<vmem>> -> memref<128x128xf32, #tpu.memory_space<vmem>>
      %dma_wait3A_456 = arith.constant 0 : i32
      %dma_wait3A_457 = arith.constant 0 : i32
      %dma_wait3A_458 = tpu.memref_slice %arg4[%add3A_418, %dma_wait3A_456, %dma_wait3A_457] : memref<50x4096x128xf32, #tpu.memory_space<hbm>> -> memref<1x4096x128xf32, #tpu.memory_space<hbm>>
      %dma_wait3A_459 = tpu.memref_squeeze %dma_wait3A_458 : memref<1x4096x128xf32, #tpu.memory_space<hbm>> -> memref<4096x128xf32, #tpu.memory_space<hbm>>
      %dma_wait3A_460 = arith.constant 0 : i32
      %dma_wait3A_461 = tpu.memref_slice %dma_wait3A_459[%mul3A_2, %dma_wait3A_460] : memref<4096x128xf32, #tpu.memory_space<hbm>> -> memref<128x128xf32, #tpu.memory_space<hbm>>
      %dma_wait3A_462 = arith.constant 0 : i32
      %dma_wait3A_463 = arith.constant 0 : i32
      %dma_wait3A_464 = tpu.memref_slice %arg4[%add3A_418, %dma_wait3A_462, %dma_wait3A_463] : memref<50x4096x128xf32, #tpu.memory_space<hbm>> -> memref<1x4096x128xf32, #tpu.memory_space<hbm>>
      %dma_wait3A_465 = tpu.memref_squeeze %dma_wait3A_464 : memref<1x4096x128xf32, #tpu.memory_space<hbm>> -> memref<4096x128xf32, #tpu.memory_space<hbm>>
      %dma_wait3A_466 = arith.constant 0 : i32
      %dma_wait3A_467 = tpu.memref_slice %dma_wait3A_465[%mul3A_2, %dma_wait3A_466] : memref<4096x128xf32, #tpu.memory_space<hbm>> -> memref<128x128xf32, #tpu.memory_space<hbm>>
      %dma_wait3A_468 = arith.constant 0 : i32
      %dma_wait3A_469 = arith.constant 0 : i32
      %dma_wait3A_470 = tpu.memref_slice %arg6[%dma_wait3A_451, %dma_wait3A_468, %dma_wait3A_469] : memref<5x128x128xf32, #tpu.memory_space<vmem>> -> memref<1x128x128xf32, #tpu.memory_space<vmem>>
      %dma_wait3A_471 = tpu.memref_squeeze %dma_wait3A_470 : memref<1x128x128xf32, #tpu.memory_space<vmem>> -> memref<128x128xf32, #tpu.memory_space<vmem>>
      tpu.wait_dma2 semaphore(%arg13 : memref<!tpu.dma_semaphore, #tpu.memory_space<semaphore_mem>>) src(%dma_wait3A_471 : memref<128x128xf32, #tpu.memory_space<vmem>>) dst(%dma_wait3A_467 : memref<128x128xf32, #tpu.memory_space<hbm>>)
      %add3A_472 = arith.constant 5 : i32
      %add3A_473 = arith.addi %add3A_418, %add3A_472 : i32
      %dma_start3A_474 = arith.constant 1 : i32
      %dma_start3A_475 = arith.constant 0 : i32
      %dma_start3A_476 = arith.constant 0 : i32
      %dma_start3A_477 = tpu.memref_slice %arg6[%dma_start3A_474, %dma_start3A_475, %dma_start3A_476] : memref<5x128x128xf32, #tpu.memory_space<vmem>> -> memref<1x128x128xf32, #tpu.memory_space<vmem>>
      %dma_start3A_478 = tpu.memref_squeeze %dma_start3A_477 : memref<1x128x128xf32, #tpu.memory_space<vmem>> -> memref<128x128xf32, #tpu.memory_space<vmem>>
      %dma_start3A_479 = arith.constant 0 : i32
      %dma_start3A_480 = tpu.memref_slice %arg5[%add3A_473, %dma_start3A_479] : memref<50x128xi32, #tpu.memory_space<vmem>> -> memref<1x128xi32, #tpu.memory_space<vmem>>
      %dma_start3A_481 = tpu.memref_squeeze %dma_start3A_480 : memref<1x128xi32, #tpu.memory_space<vmem>> -> memref<128xi32, #tpu.memory_space<vmem>>
      %dma_start3A_482 = arith.constant 0 : i32
      %dma_start3A_483 = arith.constant 0 : i32
      %dma_start3A_484 = tpu.memref_slice %arg3[%dma_start3A_482, %dma_start3A_483] : memref<100000x128xf32, #tpu.memory_space<hbm>> -> memref<100000x128xf32, #tpu.memory_space<hbm>>
      tpu.enqueue_indirect_dma source(%dma_start3A_484 : memref<100000x128xf32, #tpu.memory_space<hbm>>) target(%dma_start3A_478 : memref<128x128xf32, #tpu.memory_space<vmem>>) offsets(%dma_start3A_481 : memref<128xi32, #tpu.memory_space<vmem>>) semaphore(%arg8 : memref<!tpu.dma_semaphore, #tpu.memory_space<semaphore_mem>>)
      %add3A_485 = arith.constant 2 : i32
      %add3A_486 = arith.addi %mul3A_348, %add3A_485 : i32
      %dma_wait3A_487 = arith.constant 2 : i32
      %dma_wait3A_488 = arith.constant 0 : i32
      %dma_wait3A_489 = arith.constant 0 : i32
      %dma_wait3A_490 = tpu.memref_slice %arg6[%dma_wait3A_487, %dma_wait3A_488, %dma_wait3A_489] : memref<5x128x128xf32, #tpu.memory_space<vmem>> -> memref<1x128x128xf32, #tpu.memory_space<vmem>>
      %dma_wait3A_491 = tpu.memref_squeeze %dma_wait3A_490 : memref<1x128x128xf32, #tpu.memory_space<vmem>> -> memref<128x128xf32, #tpu.memory_space<vmem>>
      %dma_wait3A_492 = arith.constant 0 : i32
      %dma_wait3A_493 = tpu.memref_slice %arg5[%add3A_486, %dma_wait3A_492] : memref<50x128xi32, #tpu.memory_space<vmem>> -> memref<1x128xi32, #tpu.memory_space<vmem>>
      %dma_wait3A_494 = tpu.memref_squeeze %dma_wait3A_493 : memref<1x128xi32, #tpu.memory_space<vmem>> -> memref<128xi32, #tpu.memory_space<vmem>>
      %dma_wait3A_495 = arith.constant 0 : i32
      %dma_wait3A_496 = arith.constant 0 : i32
      %dma_wait3A_497 = tpu.memref_slice %arg3[%dma_wait3A_495, %dma_wait3A_496] : memref<100000x128xf32, #tpu.memory_space<hbm>> -> memref<100000x128xf32, #tpu.memory_space<hbm>>
      tpu.wait_indirect_dma semaphore(%arg9 : memref<!tpu.dma_semaphore, #tpu.memory_space<semaphore_mem>>) src(%dma_wait3A_497 : memref<100000x128xf32, #tpu.memory_space<hbm>>) dst(%dma_wait3A_491 : memref<128x128xf32, #tpu.memory_space<vmem>>)
      %dma_start3A_498 = arith.constant 2 : i32
      %dma_start3A_499 = arith.constant 0 : i32
      %dma_start3A_500 = arith.constant 0 : i32
      %dma_start3A_501 = tpu.memref_slice %arg6[%dma_start3A_498, %dma_start3A_499, %dma_start3A_500] : memref<5x128x128xf32, #tpu.memory_space<vmem>> -> memref<1x128x128xf32, #tpu.memory_space<vmem>>
      %dma_start3A_502 = tpu.memref_squeeze %dma_start3A_501 : memref<1x128x128xf32, #tpu.memory_space<vmem>> -> memref<128x128xf32, #tpu.memory_space<vmem>>
      %dma_start3A_503 = arith.constant 0 : i32
      %dma_start3A_504 = arith.constant 0 : i32
      %dma_start3A_505 = tpu.memref_slice %arg4[%add3A_486, %dma_start3A_503, %dma_start3A_504] : memref<50x4096x128xf32, #tpu.memory_space<hbm>> -> memref<1x4096x128xf32, #tpu.memory_space<hbm>>
      %dma_start3A_506 = tpu.memref_squeeze %dma_start3A_505 : memref<1x4096x128xf32, #tpu.memory_space<hbm>> -> memref<4096x128xf32, #tpu.memory_space<hbm>>
      %dma_start3A_507 = arith.constant 0 : i32
      %dma_start3A_508 = tpu.memref_slice %dma_start3A_506[%mul3A_2, %dma_start3A_507] : memref<4096x128xf32, #tpu.memory_space<hbm>> -> memref<128x128xf32, #tpu.memory_space<hbm>>
      %dma_start3A_509 = arith.constant 0 : i32
      %dma_start3A_510 = arith.constant 0 : i32
      %dma_start3A_511 = tpu.memref_slice %arg4[%add3A_486, %dma_start3A_509, %dma_start3A_510] : memref<50x4096x128xf32, #tpu.memory_space<hbm>> -> memref<1x4096x128xf32, #tpu.memory_space<hbm>>
      %dma_start3A_512 = tpu.memref_squeeze %dma_start3A_511 : memref<1x4096x128xf32, #tpu.memory_space<hbm>> -> memref<4096x128xf32, #tpu.memory_space<hbm>>
      %dma_start3A_513 = arith.constant 0 : i32
      %dma_start3A_514 = tpu.memref_slice %dma_start3A_512[%mul3A_2, %dma_start3A_513] : memref<4096x128xf32, #tpu.memory_space<hbm>> -> memref<128x128xf32, #tpu.memory_space<hbm>>
      %dma_start3A_515 = arith.constant 0 : i32
      %dma_start3A_516 = arith.constant 0 : i32
      %dma_start3A_517 = tpu.memref_slice %arg6[%dma_start3A_498, %dma_start3A_515, %dma_start3A_516] : memref<5x128x128xf32, #tpu.memory_space<vmem>> -> memref<1x128x128xf32, #tpu.memory_space<vmem>>
      %dma_start3A_518 = tpu.memref_squeeze %dma_start3A_517 : memref<1x128x128xf32, #tpu.memory_space<vmem>> -> memref<128x128xf32, #tpu.memory_space<vmem>>
      tpu.enqueue_dma source(%dma_start3A_518 : memref<128x128xf32, #tpu.memory_space<vmem>>) target(%dma_start3A_514 : memref<128x128xf32, #tpu.memory_space<hbm>>) target_semaphore(%arg14 : memref<!tpu.dma_semaphore, #tpu.memory_space<semaphore_mem>>)
      %dma_wait3A_519 = arith.constant 2 : i32
      %dma_wait3A_520 = arith.constant 0 : i32
      %dma_wait3A_521 = arith.constant 0 : i32
      %dma_wait3A_522 = tpu.memref_slice %arg6[%dma_wait3A_519, %dma_wait3A_520, %dma_wait3A_521] : memref<5x128x128xf32, #tpu.memory_space<vmem>> -> memref<1x128x128xf32, #tpu.memory_space<vmem>>
      %dma_wait3A_523 = tpu.memref_squeeze %dma_wait3A_522 : memref<1x128x128xf32, #tpu.memory_space<vmem>> -> memref<128x128xf32, #tpu.memory_space<vmem>>
      %dma_wait3A_524 = arith.constant 0 : i32
      %dma_wait3A_525 = arith.constant 0 : i32
      %dma_wait3A_526 = tpu.memref_slice %arg4[%add3A_486, %dma_wait3A_524, %dma_wait3A_525] : memref<50x4096x128xf32, #tpu.memory_space<hbm>> -> memref<1x4096x128xf32, #tpu.memory_space<hbm>>
      %dma_wait3A_527 = tpu.memref_squeeze %dma_wait3A_526 : memref<1x4096x128xf32, #tpu.memory_space<hbm>> -> memref<4096x128xf32, #tpu.memory_space<hbm>>
      %dma_wait3A_528 = arith.constant 0 : i32
      %dma_wait3A_529 = tpu.memref_slice %dma_wait3A_527[%mul3A_2, %dma_wait3A_528] : memref<4096x128xf32, #tpu.memory_space<hbm>> -> memref<128x128xf32, #tpu.memory_space<hbm>>
      %dma_wait3A_530 = arith.constant 0 : i32
      %dma_wait3A_531 = arith.constant 0 : i32
      %dma_wait3A_532 = tpu.memref_slice %arg4[%add3A_486, %dma_wait3A_530, %dma_wait3A_531] : memref<50x4096x128xf32, #tpu.memory_space<hbm>> -> memref<1x4096x128xf32, #tpu.memory_space<hbm>>
      %dma_wait3A_533 = tpu.memref_squeeze %dma_wait3A_532 : memref<1x4096x128xf32, #tpu.memory_space<hbm>> -> memref<4096x128xf32, #tpu.memory_space<hbm>>
      %dma_wait3A_534 = arith.constant 0 : i32
      %dma_wait3A_535 = tpu.memref_slice %dma_wait3A_533[%mul3A_2, %dma_wait3A_534] : memref<4096x128xf32, #tpu.memory_space<hbm>> -> memref<128x128xf32, #tpu.memory_space<hbm>>
      %dma_wait3A_536 = arith.constant 0 : i32
      %dma_wait3A_537 = arith.constant 0 : i32
      %dma_wait3A_538 = tpu.memref_slice %arg6[%dma_wait3A_519, %dma_wait3A_536, %dma_wait3A_537] : memref<5x128x128xf32, #tpu.memory_space<vmem>> -> memref<1x128x128xf32, #tpu.memory_space<vmem>>
      %dma_wait3A_539 = tpu.memref_squeeze %dma_wait3A_538 : memref<1x128x128xf32, #tpu.memory_space<vmem>> -> memref<128x128xf32, #tpu.memory_space<vmem>>
      tpu.wait_dma2 semaphore(%arg14 : memref<!tpu.dma_semaphore, #tpu.memory_space<semaphore_mem>>) src(%dma_wait3A_539 : memref<128x128xf32, #tpu.memory_space<vmem>>) dst(%dma_wait3A_535 : memref<128x128xf32, #tpu.memory_space<hbm>>)
      %add3A_540 = arith.constant 5 : i32
      %add3A_541 = arith.addi %add3A_486, %add3A_540 : i32
      %dma_start3A_542 = arith.constant 2 : i32
      %dma_start3A_543 = arith.constant 0 : i32
      %dma_start3A_544 = arith.constant 0 : i32
      %dma_start3A_545 = tpu.memref_slice %arg6[%dma_start3A_542, %dma_start3A_543, %dma_start3A_544] : memref<5x128x128xf32, #tpu.memory_space<vmem>> -> memref<1x128x128xf32, #tpu.memory_space<vmem>>
      %dma_start3A_546 = tpu.memref_squeeze %dma_start3A_545 : memref<1x128x128xf32, #tpu.memory_space<vmem>> -> memref<128x128xf32, #tpu.memory_space<vmem>>
      %dma_start3A_547 = arith.constant 0 : i32
      %dma_start3A_548 = tpu.memref_slice %arg5[%add3A_541, %dma_start3A_547] : memref<50x128xi32, #tpu.memory_space<vmem>> -> memref<1x128xi32, #tpu.memory_space<vmem>>
      %dma_start3A_549 = tpu.memref_squeeze %dma_start3A_548 : memref<1x128xi32, #tpu.memory_space<vmem>> -> memref<128xi32, #tpu.memory_space<vmem>>
      %dma_start3A_550 = arith.constant 0 : i32
      %dma_start3A_551 = arith.constant 0 : i32
      %dma_start3A_552 = tpu.memref_slice %arg3[%dma_start3A_550, %dma_start3A_551] : memref<100000x128xf32, #tpu.memory_space<hbm>> -> memref<100000x128xf32, #tpu.memory_space<hbm>>
      tpu.enqueue_indirect_dma source(%dma_start3A_552 : memref<100000x128xf32, #tpu.memory_space<hbm>>) target(%dma_start3A_546 : memref<128x128xf32, #tpu.memory_space<vmem>>) offsets(%dma_start3A_549 : memref<128xi32, #tpu.memory_space<vmem>>) semaphore(%arg9 : memref<!tpu.dma_semaphore, #tpu.memory_space<semaphore_mem>>)
      %add3A_553 = arith.constant 3 : i32
      %add3A_554 = arith.addi %mul3A_348, %add3A_553 : i32
      %dma_wait3A_555 = arith.constant 3 : i32
      %dma_wait3A_556 = arith.constant 0 : i32
      %dma_wait3A_557 = arith.constant 0 : i32
      %dma_wait3A_558 = tpu.memref_slice %arg6[%dma_wait3A_555, %dma_wait3A_556, %dma_wait3A_557] : memref<5x128x128xf32, #tpu.memory_space<vmem>> -> memref<1x128x128xf32, #tpu.memory_space<vmem>>
      %dma_wait3A_559 = tpu.memref_squeeze %dma_wait3A_558 : memref<1x128x128xf32, #tpu.memory_space<vmem>> -> memref<128x128xf32, #tpu.memory_space<vmem>>
      %dma_wait3A_560 = arith.constant 0 : i32
      %dma_wait3A_561 = tpu.memref_slice %arg5[%add3A_554, %dma_wait3A_560] : memref<50x128xi32, #tpu.memory_space<vmem>> -> memref<1x128xi32, #tpu.memory_space<vmem>>
      %dma_wait3A_562 = tpu.memref_squeeze %dma_wait3A_561 : memref<1x128xi32, #tpu.memory_space<vmem>> -> memref<128xi32, #tpu.memory_space<vmem>>
      %dma_wait3A_563 = arith.constant 0 : i32
      %dma_wait3A_564 = arith.constant 0 : i32
      %dma_wait3A_565 = tpu.memref_slice %arg3[%dma_wait3A_563, %dma_wait3A_564] : memref<100000x128xf32, #tpu.memory_space<hbm>> -> memref<100000x128xf32, #tpu.memory_space<hbm>>
      tpu.wait_indirect_dma semaphore(%arg10 : memref<!tpu.dma_semaphore, #tpu.memory_space<semaphore_mem>>) src(%dma_wait3A_565 : memref<100000x128xf32, #tpu.memory_space<hbm>>) dst(%dma_wait3A_559 : memref<128x128xf32, #tpu.memory_space<vmem>>)
      %dma_start3A_566 = arith.constant 3 : i32
      %dma_start3A_567 = arith.constant 0 : i32
      %dma_start3A_568 = arith.constant 0 : i32
      %dma_start3A_569 = tpu.memref_slice %arg6[%dma_start3A_566, %dma_start3A_567, %dma_start3A_568] : memref<5x128x128xf32, #tpu.memory_space<vmem>> -> memref<1x128x128xf32, #tpu.memory_space<vmem>>
      %dma_start3A_570 = tpu.memref_squeeze %dma_start3A_569 : memref<1x128x128xf32, #tpu.memory_space<vmem>> -> memref<128x128xf32, #tpu.memory_space<vmem>>
      %dma_start3A_571 = arith.constant 0 : i32
      %dma_start3A_572 = arith.constant 0 : i32
      %dma_start3A_573 = tpu.memref_slice %arg4[%add3A_554, %dma_start3A_571, %dma_start3A_572] : memref<50x4096x128xf32, #tpu.memory_space<hbm>> -> memref<1x4096x128xf32, #tpu.memory_space<hbm>>
      %dma_start3A_574 = tpu.memref_squeeze %dma_start3A_573 : memref<1x4096x128xf32, #tpu.memory_space<hbm>> -> memref<4096x128xf32, #tpu.memory_space<hbm>>
      %dma_start3A_575 = arith.constant 0 : i32
      %dma_start3A_576 = tpu.memref_slice %dma_start3A_574[%mul3A_2, %dma_start3A_575] : memref<4096x128xf32, #tpu.memory_space<hbm>> -> memref<128x128xf32, #tpu.memory_space<hbm>>
      %dma_start3A_577 = arith.constant 0 : i32
      %dma_start3A_578 = arith.constant 0 : i32
      %dma_start3A_579 = tpu.memref_slice %arg4[%add3A_554, %dma_start3A_577, %dma_start3A_578] : memref<50x4096x128xf32, #tpu.memory_space<hbm>> -> memref<1x4096x128xf32, #tpu.memory_space<hbm>>
      %dma_start3A_580 = tpu.memref_squeeze %dma_start3A_579 : memref<1x4096x128xf32, #tpu.memory_space<hbm>> -> memref<4096x128xf32, #tpu.memory_space<hbm>>
      %dma_start3A_581 = arith.constant 0 : i32
      %dma_start3A_582 = tpu.memref_slice %dma_start3A_580[%mul3A_2, %dma_start3A_581] : memref<4096x128xf32, #tpu.memory_space<hbm>> -> memref<128x128xf32, #tpu.memory_space<hbm>>
      %dma_start3A_583 = arith.constant 0 : i32
      %dma_start3A_584 = arith.constant 0 : i32
      %dma_start3A_585 = tpu.memref_slice %arg6[%dma_start3A_566, %dma_start3A_583, %dma_start3A_584] : memref<5x128x128xf32, #tpu.memory_space<vmem>> -> memref<1x128x128xf32, #tpu.memory_space<vmem>>
      %dma_start3A_586 = tpu.memref_squeeze %dma_start3A_585 : memref<1x128x128xf32, #tpu.memory_space<vmem>> -> memref<128x128xf32, #tpu.memory_space<vmem>>
      tpu.enqueue_dma source(%dma_start3A_586 : memref<128x128xf32, #tpu.memory_space<vmem>>) target(%dma_start3A_582 : memref<128x128xf32, #tpu.memory_space<hbm>>) target_semaphore(%arg15 : memref<!tpu.dma_semaphore, #tpu.memory_space<semaphore_mem>>)
      %dma_wait3A_587 = arith.constant 3 : i32
      %dma_wait3A_588 = arith.constant 0 : i32
      %dma_wait3A_589 = arith.constant 0 : i32
      %dma_wait3A_590 = tpu.memref_slice %arg6[%dma_wait3A_587, %dma_wait3A_588, %dma_wait3A_589] : memref<5x128x128xf32, #tpu.memory_space<vmem>> -> memref<1x128x128xf32, #tpu.memory_space<vmem>>
      %dma_wait3A_591 = tpu.memref_squeeze %dma_wait3A_590 : memref<1x128x128xf32, #tpu.memory_space<vmem>> -> memref<128x128xf32, #tpu.memory_space<vmem>>
      %dma_wait3A_592 = arith.constant 0 : i32
      %dma_wait3A_593 = arith.constant 0 : i32
      %dma_wait3A_594 = tpu.memref_slice %arg4[%add3A_554, %dma_wait3A_592, %dma_wait3A_593] : memref<50x4096x128xf32, #tpu.memory_space<hbm>> -> memref<1x4096x128xf32, #tpu.memory_space<hbm>>
      %dma_wait3A_595 = tpu.memref_squeeze %dma_wait3A_594 : memref<1x4096x128xf32, #tpu.memory_space<hbm>> -> memref<4096x128xf32, #tpu.memory_space<hbm>>
      %dma_wait3A_596 = arith.constant 0 : i32
      %dma_wait3A_597 = tpu.memref_slice %dma_wait3A_595[%mul3A_2, %dma_wait3A_596] : memref<4096x128xf32, #tpu.memory_space<hbm>> -> memref<128x128xf32, #tpu.memory_space<hbm>>
      %dma_wait3A_598 = arith.constant 0 : i32
      %dma_wait3A_599 = arith.constant 0 : i32
      %dma_wait3A_600 = tpu.memref_slice %arg4[%add3A_554, %dma_wait3A_598, %dma_wait3A_599] : memref<50x4096x128xf32, #tpu.memory_space<hbm>> -> memref<1x4096x128xf32, #tpu.memory_space<hbm>>
      %dma_wait3A_601 = tpu.memref_squeeze %dma_wait3A_600 : memref<1x4096x128xf32, #tpu.memory_space<hbm>> -> memref<4096x128xf32, #tpu.memory_space<hbm>>
      %dma_wait3A_602 = arith.constant 0 : i32
      %dma_wait3A_603 = tpu.memref_slice %dma_wait3A_601[%mul3A_2, %dma_wait3A_602] : memref<4096x128xf32, #tpu.memory_space<hbm>> -> memref<128x128xf32, #tpu.memory_space<hbm>>
      %dma_wait3A_604 = arith.constant 0 : i32
      %dma_wait3A_605 = arith.constant 0 : i32
      %dma_wait3A_606 = tpu.memref_slice %arg6[%dma_wait3A_587, %dma_wait3A_604, %dma_wait3A_605] : memref<5x128x128xf32, #tpu.memory_space<vmem>> -> memref<1x128x128xf32, #tpu.memory_space<vmem>>
      %dma_wait3A_607 = tpu.memref_squeeze %dma_wait3A_606 : memref<1x128x128xf32, #tpu.memory_space<vmem>> -> memref<128x128xf32, #tpu.memory_space<vmem>>
      tpu.wait_dma2 semaphore(%arg15 : memref<!tpu.dma_semaphore, #tpu.memory_space<semaphore_mem>>) src(%dma_wait3A_607 : memref<128x128xf32, #tpu.memory_space<vmem>>) dst(%dma_wait3A_603 : memref<128x128xf32, #tpu.memory_space<hbm>>)
      %add3A_608 = arith.constant 5 : i32
      %add3A_609 = arith.addi %add3A_554, %add3A_608 : i32
      %dma_start3A_610 = arith.constant 3 : i32
      %dma_start3A_611 = arith.constant 0 : i32
      %dma_start3A_612 = arith.constant 0 : i32
      %dma_start3A_613 = tpu.memref_slice %arg6[%dma_start3A_610, %dma_start3A_611, %dma_start3A_612] : memref<5x128x128xf32, #tpu.memory_space<vmem>> -> memref<1x128x128xf32, #tpu.memory_space<vmem>>
      %dma_start3A_614 = tpu.memref_squeeze %dma_start3A_613 : memref<1x128x128xf32, #tpu.memory_space<vmem>> -> memref<128x128xf32, #tpu.memory_space<vmem>>
      %dma_start3A_615 = arith.constant 0 : i32
      %dma_start3A_616 = tpu.memref_slice %arg5[%add3A_609, %dma_start3A_615] : memref<50x128xi32, #tpu.memory_space<vmem>> -> memref<1x128xi32, #tpu.memory_space<vmem>>
      %dma_start3A_617 = tpu.memref_squeeze %dma_start3A_616 : memref<1x128xi32, #tpu.memory_space<vmem>> -> memref<128xi32, #tpu.memory_space<vmem>>
      %dma_start3A_618 = arith.constant 0 : i32
      %dma_start3A_619 = arith.constant 0 : i32
      %dma_start3A_620 = tpu.memref_slice %arg3[%dma_start3A_618, %dma_start3A_619] : memref<100000x128xf32, #tpu.memory_space<hbm>> -> memref<100000x128xf32, #tpu.memory_space<hbm>>
      tpu.enqueue_indirect_dma source(%dma_start3A_620 : memref<100000x128xf32, #tpu.memory_space<hbm>>) target(%dma_start3A_614 : memref<128x128xf32, #tpu.memory_space<vmem>>) offsets(%dma_start3A_617 : memref<128xi32, #tpu.memory_space<vmem>>) semaphore(%arg10 : memref<!tpu.dma_semaphore, #tpu.memory_space<semaphore_mem>>)
      %add3A_621 = arith.constant 4 : i32
      %add3A_622 = arith.addi %mul3A_348, %add3A_621 : i32
      %dma_wait3A_623 = arith.constant 4 : i32
      %dma_wait3A_624 = arith.constant 0 : i32
      %dma_wait3A_625 = arith.constant 0 : i32
      %dma_wait3A_626 = tpu.memref_slice %arg6[%dma_wait3A_623, %dma_wait3A_624, %dma_wait3A_625] : memref<5x128x128xf32, #tpu.memory_space<vmem>> -> memref<1x128x128xf32, #tpu.memory_space<vmem>>
      %dma_wait3A_627 = tpu.memref_squeeze %dma_wait3A_626 : memref<1x128x128xf32, #tpu.memory_space<vmem>> -> memref<128x128xf32, #tpu.memory_space<vmem>>
      %dma_wait3A_628 = arith.constant 0 : i32
      %dma_wait3A_629 = tpu.memref_slice %arg5[%add3A_622, %dma_wait3A_628] : memref<50x128xi32, #tpu.memory_space<vmem>> -> memref<1x128xi32, #tpu.memory_space<vmem>>
      %dma_wait3A_630 = tpu.memref_squeeze %dma_wait3A_629 : memref<1x128xi32, #tpu.memory_space<vmem>> -> memref<128xi32, #tpu.memory_space<vmem>>
      %dma_wait3A_631 = arith.constant 0 : i32
      %dma_wait3A_632 = arith.constant 0 : i32
      %dma_wait3A_633 = tpu.memref_slice %arg3[%dma_wait3A_631, %dma_wait3A_632] : memref<100000x128xf32, #tpu.memory_space<hbm>> -> memref<100000x128xf32, #tpu.memory_space<hbm>>
      tpu.wait_indirect_dma semaphore(%arg11 : memref<!tpu.dma_semaphore, #tpu.memory_space<semaphore_mem>>) src(%dma_wait3A_633 : memref<100000x128xf32, #tpu.memory_space<hbm>>) dst(%dma_wait3A_627 : memref<128x128xf32, #tpu.memory_space<vmem>>)
      %dma_start3A_634 = arith.constant 4 : i32
      %dma_start3A_635 = arith.constant 0 : i32
      %dma_start3A_636 = arith.constant 0 : i32
      %dma_start3A_637 = tpu.memref_slice %arg6[%dma_start3A_634, %dma_start3A_635, %dma_start3A_636] : memref<5x128x128xf32, #tpu.memory_space<vmem>> -> memref<1x128x128xf32, #tpu.memory_space<vmem>>
      %dma_start3A_638 = tpu.memref_squeeze %dma_start3A_637 : memref<1x128x128xf32, #tpu.memory_space<vmem>> -> memref<128x128xf32, #tpu.memory_space<vmem>>
      %dma_start3A_639 = arith.constant 0 : i32
      %dma_start3A_640 = arith.constant 0 : i32
      %dma_start3A_641 = tpu.memref_slice %arg4[%add3A_622, %dma_start3A_639, %dma_start3A_640] : memref<50x4096x128xf32, #tpu.memory_space<hbm>> -> memref<1x4096x128xf32, #tpu.memory_space<hbm>>
      %dma_start3A_642 = tpu.memref_squeeze %dma_start3A_641 : memref<1x4096x128xf32, #tpu.memory_space<hbm>> -> memref<4096x128xf32, #tpu.memory_space<hbm>>
      %dma_start3A_643 = arith.constant 0 : i32
      %dma_start3A_644 = tpu.memref_slice %dma_start3A_642[%mul3A_2, %dma_start3A_643] : memref<4096x128xf32, #tpu.memory_space<hbm>> -> memref<128x128xf32, #tpu.memory_space<hbm>>
      %dma_start3A_645 = arith.constant 0 : i32
      %dma_start3A_646 = arith.constant 0 : i32
      %dma_start3A_647 = tpu.memref_slice %arg4[%add3A_622, %dma_start3A_645, %dma_start3A_646] : memref<50x4096x128xf32, #tpu.memory_space<hbm>> -> memref<1x4096x128xf32, #tpu.memory_space<hbm>>
      %dma_start3A_648 = tpu.memref_squeeze %dma_start3A_647 : memref<1x4096x128xf32, #tpu.memory_space<hbm>> -> memref<4096x128xf32, #tpu.memory_space<hbm>>
      %dma_start3A_649 = arith.constant 0 : i32
      %dma_start3A_650 = tpu.memref_slice %dma_start3A_648[%mul3A_2, %dma_start3A_649] : memref<4096x128xf32, #tpu.memory_space<hbm>> -> memref<128x128xf32, #tpu.memory_space<hbm>>
      %dma_start3A_651 = arith.constant 0 : i32
      %dma_start3A_652 = arith.constant 0 : i32
      %dma_start3A_653 = tpu.memref_slice %arg6[%dma_start3A_634, %dma_start3A_651, %dma_start3A_652] : memref<5x128x128xf32, #tpu.memory_space<vmem>> -> memref<1x128x128xf32, #tpu.memory_space<vmem>>
      %dma_start3A_654 = tpu.memref_squeeze %dma_start3A_653 : memref<1x128x128xf32, #tpu.memory_space<vmem>> -> memref<128x128xf32, #tpu.memory_space<vmem>>
      tpu.enqueue_dma source(%dma_start3A_654 : memref<128x128xf32, #tpu.memory_space<vmem>>) target(%dma_start3A_650 : memref<128x128xf32, #tpu.memory_space<hbm>>) target_semaphore(%arg16 : memref<!tpu.dma_semaphore, #tpu.memory_space<semaphore_mem>>)
      %dma_wait3A_655 = arith.constant 4 : i32
      %dma_wait3A_656 = arith.constant 0 : i32
      %dma_wait3A_657 = arith.constant 0 : i32
      %dma_wait3A_658 = tpu.memref_slice %arg6[%dma_wait3A_655, %dma_wait3A_656, %dma_wait3A_657] : memref<5x128x128xf32, #tpu.memory_space<vmem>> -> memref<1x128x128xf32, #tpu.memory_space<vmem>>
      %dma_wait3A_659 = tpu.memref_squeeze %dma_wait3A_658 : memref<1x128x128xf32, #tpu.memory_space<vmem>> -> memref<128x128xf32, #tpu.memory_space<vmem>>
      %dma_wait3A_660 = arith.constant 0 : i32
      %dma_wait3A_661 = arith.constant 0 : i32
      %dma_wait3A_662 = tpu.memref_slice %arg4[%add3A_622, %dma_wait3A_660, %dma_wait3A_661] : memref<50x4096x128xf32, #tpu.memory_space<hbm>> -> memref<1x4096x128xf32, #tpu.memory_space<hbm>>
      %dma_wait3A_663 = tpu.memref_squeeze %dma_wait3A_662 : memref<1x4096x128xf32, #tpu.memory_space<hbm>> -> memref<4096x128xf32, #tpu.memory_space<hbm>>
      %dma_wait3A_664 = arith.constant 0 : i32
      %dma_wait3A_665 = tpu.memref_slice %dma_wait3A_663[%mul3A_2, %dma_wait3A_664] : memref<4096x128xf32, #tpu.memory_space<hbm>> -> memref<128x128xf32, #tpu.memory_space<hbm>>
      %dma_wait3A_666 = arith.constant 0 : i32
      %dma_wait3A_667 = arith.constant 0 : i32
      %dma_wait3A_668 = tpu.memref_slice %arg4[%add3A_622, %dma_wait3A_666, %dma_wait3A_667] : memref<50x4096x128xf32, #tpu.memory_space<hbm>> -> memref<1x4096x128xf32, #tpu.memory_space<hbm>>
      %dma_wait3A_669 = tpu.memref_squeeze %dma_wait3A_668 : memref<1x4096x128xf32, #tpu.memory_space<hbm>> -> memref<4096x128xf32, #tpu.memory_space<hbm>>
      %dma_wait3A_670 = arith.constant 0 : i32
      %dma_wait3A_671 = tpu.memref_slice %dma_wait3A_669[%mul3A_2, %dma_wait3A_670] : memref<4096x128xf32, #tpu.memory_space<hbm>> -> memref<128x128xf32, #tpu.memory_space<hbm>>
      %dma_wait3A_672 = arith.constant 0 : i32
      %dma_wait3A_673 = arith.constant 0 : i32
      %dma_wait3A_674 = tpu.memref_slice %arg6[%dma_wait3A_655, %dma_wait3A_672, %dma_wait3A_673] : memref<5x128x128xf32, #tpu.memory_space<vmem>> -> memref<1x128x128xf32, #tpu.memory_space<vmem>>
      %dma_wait3A_675 = tpu.memref_squeeze %dma_wait3A_674 : memref<1x128x128xf32, #tpu.memory_space<vmem>> -> memref<128x128xf32, #tpu.memory_space<vmem>>
      tpu.wait_dma2 semaphore(%arg16 : memref<!tpu.dma_semaphore, #tpu.memory_space<semaphore_mem>>) src(%dma_wait3A_675 : memref<128x128xf32, #tpu.memory_space<vmem>>) dst(%dma_wait3A_671 : memref<128x128xf32, #tpu.memory_space<hbm>>)
      %add3A_676 = arith.constant 5 : i32
      %add3A_677 = arith.addi %add3A_622, %add3A_676 : i32
      %dma_start3A_678 = arith.constant 4 : i32
      %dma_start3A_679 = arith.constant 0 : i32
      %dma_start3A_680 = arith.constant 0 : i32
      %dma_start3A_681 = tpu.memref_slice %arg6[%dma_start3A_678, %dma_start3A_679, %dma_start3A_680] : memref<5x128x128xf32, #tpu.memory_space<vmem>> -> memref<1x128x128xf32, #tpu.memory_space<vmem>>
      %dma_start3A_682 = tpu.memref_squeeze %dma_start3A_681 : memref<1x128x128xf32, #tpu.memory_space<vmem>> -> memref<128x128xf32, #tpu.memory_space<vmem>>
      %dma_start3A_683 = arith.constant 0 : i32
      %dma_start3A_684 = tpu.memref_slice %arg5[%add3A_677, %dma_start3A_683] : memref<50x128xi32, #tpu.memory_space<vmem>> -> memref<1x128xi32, #tpu.memory_space<vmem>>
      %dma_start3A_685 = tpu.memref_squeeze %dma_start3A_684 : memref<1x128xi32, #tpu.memory_space<vmem>> -> memref<128xi32, #tpu.memory_space<vmem>>
      %dma_start3A_686 = arith.constant 0 : i32
      %dma_start3A_687 = arith.constant 0 : i32
      %dma_start3A_688 = tpu.memref_slice %arg3[%dma_start3A_686, %dma_start3A_687] : memref<100000x128xf32, #tpu.memory_space<hbm>> -> memref<100000x128xf32, #tpu.memory_space<hbm>>
      tpu.enqueue_indirect_dma source(%dma_start3A_688 : memref<100000x128xf32, #tpu.memory_space<hbm>>) target(%dma_start3A_682 : memref<128x128xf32, #tpu.memory_space<vmem>>) offsets(%dma_start3A_685 : memref<128xi32, #tpu.memory_space<vmem>>) semaphore(%arg11 : memref<!tpu.dma_semaphore, #tpu.memory_space<semaphore_mem>>)
    }
    %scan3A_66 = arith.constant 9 : i32
    %dma_wait3A = arith.constant 45 : i32
    %dma_wait3A_67 = arith.constant 0 : i32
    %dma_wait3A_68 = arith.constant 0 : i32
    %dma_wait3A_69 = arith.constant 0 : i32
    %dma_wait3A_70 = tpu.memref_slice %arg6[%dma_wait3A_67, %dma_wait3A_68, %dma_wait3A_69] : memref<5x128x128xf32, #tpu.memory_space<vmem>> -> memref<1x128x128xf32, #tpu.memory_space<vmem>>
    %dma_wait3A_71 = tpu.memref_squeeze %dma_wait3A_70 : memref<1x128x128xf32, #tpu.memory_space<vmem>> -> memref<128x128xf32, #tpu.memory_space<vmem>>
    %dma_wait3A_72 = arith.constant 0 : i32
    %dma_wait3A_73 = tpu.memref_slice %arg5[%dma_wait3A, %dma_wait3A_72] : memref<50x128xi32, #tpu.memory_space<vmem>> -> memref<1x128xi32, #tpu.memory_space<vmem>>
    %dma_wait3A_74 = tpu.memref_squeeze %dma_wait3A_73 : memref<1x128xi32, #tpu.memory_space<vmem>> -> memref<128xi32, #tpu.memory_space<vmem>>
    %dma_wait3A_75 = arith.constant 0 : i32
    %dma_wait3A_76 = arith.constant 0 : i32
    %dma_wait3A_77 = tpu.memref_slice %arg3[%dma_wait3A_75, %dma_wait3A_76] : memref<100000x128xf32, #tpu.memory_space<hbm>> -> memref<100000x128xf32, #tpu.memory_space<hbm>>
    tpu.wait_indirect_dma semaphore(%arg7 : memref<!tpu.dma_semaphore, #tpu.memory_space<semaphore_mem>>) src(%dma_wait3A_77 : memref<100000x128xf32, #tpu.memory_space<hbm>>) dst(%dma_wait3A_71 : memref<128x128xf32, #tpu.memory_space<vmem>>)
    %dma_start3A_78 = arith.constant 0 : i32
    %dma_start3A_79 = arith.constant 45 : i32
    %dma_start3A_80 = arith.constant 0 : i32
    %dma_start3A_81 = arith.constant 0 : i32
    %dma_start3A_82 = tpu.memref_slice %arg6[%dma_start3A_78, %dma_start3A_80, %dma_start3A_81] : memref<5x128x128xf32, #tpu.memory_space<vmem>> -> memref<1x128x128xf32, #tpu.memory_space<vmem>>
    %dma_start3A_83 = tpu.memref_squeeze %dma_start3A_82 : memref<1x128x128xf32, #tpu.memory_space<vmem>> -> memref<128x128xf32, #tpu.memory_space<vmem>>
    %dma_start3A_84 = arith.constant 0 : i32
    %dma_start3A_85 = arith.constant 0 : i32
    %dma_start3A_86 = tpu.memref_slice %arg4[%dma_start3A_79, %dma_start3A_84, %dma_start3A_85] : memref<50x4096x128xf32, #tpu.memory_space<hbm>> -> memref<1x4096x128xf32, #tpu.memory_space<hbm>>
    %dma_start3A_87 = tpu.memref_squeeze %dma_start3A_86 : memref<1x4096x128xf32, #tpu.memory_space<hbm>> -> memref<4096x128xf32, #tpu.memory_space<hbm>>
    %dma_start3A_88 = arith.constant 0 : i32
    %dma_start3A_89 = tpu.memref_slice %dma_start3A_87[%mul3A_2, %dma_start3A_88] : memref<4096x128xf32, #tpu.memory_space<hbm>> -> memref<128x128xf32, #tpu.memory_space<hbm>>
    %dma_start3A_90 = arith.constant 0 : i32
    %dma_start3A_91 = arith.constant 0 : i32
    %dma_start3A_92 = tpu.memref_slice %arg4[%dma_start3A_79, %dma_start3A_90, %dma_start3A_91] : memref<50x4096x128xf32, #tpu.memory_space<hbm>> -> memref<1x4096x128xf32, #tpu.memory_space<hbm>>
    %dma_start3A_93 = tpu.memref_squeeze %dma_start3A_92 : memref<1x4096x128xf32, #tpu.memory_space<hbm>> -> memref<4096x128xf32, #tpu.memory_space<hbm>>
    %dma_start3A_94 = arith.constant 0 : i32
    %dma_start3A_95 = tpu.memref_slice %dma_start3A_93[%mul3A_2, %dma_start3A_94] : memref<4096x128xf32, #tpu.memory_space<hbm>> -> memref<128x128xf32, #tpu.memory_space<hbm>>
    %dma_start3A_96 = arith.constant 0 : i32
    %dma_start3A_97 = arith.constant 0 : i32
    %dma_start3A_98 = tpu.memref_slice %arg6[%dma_start3A_78, %dma_start3A_96, %dma_start3A_97] : memref<5x128x128xf32, #tpu.memory_space<vmem>> -> memref<1x128x128xf32, #tpu.memory_space<vmem>>
    %dma_start3A_99 = tpu.memref_squeeze %dma_start3A_98 : memref<1x128x128xf32, #tpu.memory_space<vmem>> -> memref<128x128xf32, #tpu.memory_space<vmem>>
    tpu.enqueue_dma source(%dma_start3A_99 : memref<128x128xf32, #tpu.memory_space<vmem>>) target(%dma_start3A_95 : memref<128x128xf32, #tpu.memory_space<hbm>>) target_semaphore(%arg12 : memref<!tpu.dma_semaphore, #tpu.memory_space<semaphore_mem>>)
    %dma_wait3A_100 = arith.constant 46 : i32
    %dma_wait3A_101 = arith.constant 1 : i32
    %dma_wait3A_102 = arith.constant 0 : i32
    %dma_wait3A_103 = arith.constant 0 : i32
    %dma_wait3A_104 = tpu.memref_slice %arg6[%dma_wait3A_101, %dma_wait3A_102, %dma_wait3A_103] : memref<5x128x128xf32, #tpu.memory_space<vmem>> -> memref<1x128x128xf32, #tpu.memory_space<vmem>>
    %dma_wait3A_105 = tpu.memref_squeeze %dma_wait3A_104 : memref<1x128x128xf32, #tpu.memory_space<vmem>> -> memref<128x128xf32, #tpu.memory_space<vmem>>
    %dma_wait3A_106 = arith.constant 0 : i32
    %dma_wait3A_107 = tpu.memref_slice %arg5[%dma_wait3A_100, %dma_wait3A_106] : memref<50x128xi32, #tpu.memory_space<vmem>> -> memref<1x128xi32, #tpu.memory_space<vmem>>
    %dma_wait3A_108 = tpu.memref_squeeze %dma_wait3A_107 : memref<1x128xi32, #tpu.memory_space<vmem>> -> memref<128xi32, #tpu.memory_space<vmem>>
    %dma_wait3A_109 = arith.constant 0 : i32
    %dma_wait3A_110 = arith.constant 0 : i32
    %dma_wait3A_111 = tpu.memref_slice %arg3[%dma_wait3A_109, %dma_wait3A_110] : memref<100000x128xf32, #tpu.memory_space<hbm>> -> memref<100000x128xf32, #tpu.memory_space<hbm>>
    tpu.wait_indirect_dma semaphore(%arg8 : memref<!tpu.dma_semaphore, #tpu.memory_space<semaphore_mem>>) src(%dma_wait3A_111 : memref<100000x128xf32, #tpu.memory_space<hbm>>) dst(%dma_wait3A_105 : memref<128x128xf32, #tpu.memory_space<vmem>>)
    %dma_start3A_112 = arith.constant 1 : i32
    %dma_start3A_113 = arith.constant 46 : i32
    %dma_start3A_114 = arith.constant 0 : i32
    %dma_start3A_115 = arith.constant 0 : i32
    %dma_start3A_116 = tpu.memref_slice %arg6[%dma_start3A_112, %dma_start3A_114, %dma_start3A_115] : memref<5x128x128xf32, #tpu.memory_space<vmem>> -> memref<1x128x128xf32, #tpu.memory_space<vmem>>
    %dma_start3A_117 = tpu.memref_squeeze %dma_start3A_116 : memref<1x128x128xf32, #tpu.memory_space<vmem>> -> memref<128x128xf32, #tpu.memory_space<vmem>>
    %dma_start3A_118 = arith.constant 0 : i32
    %dma_start3A_119 = arith.constant 0 : i32
    %dma_start3A_120 = tpu.memref_slice %arg4[%dma_start3A_113, %dma_start3A_118, %dma_start3A_119] : memref<50x4096x128xf32, #tpu.memory_space<hbm>> -> memref<1x4096x128xf32, #tpu.memory_space<hbm>>
    %dma_start3A_121 = tpu.memref_squeeze %dma_start3A_120 : memref<1x4096x128xf32, #tpu.memory_space<hbm>> -> memref<4096x128xf32, #tpu.memory_space<hbm>>
    %dma_start3A_122 = arith.constant 0 : i32
    %dma_start3A_123 = tpu.memref_slice %dma_start3A_121[%mul3A_2, %dma_start3A_122] : memref<4096x128xf32, #tpu.memory_space<hbm>> -> memref<128x128xf32, #tpu.memory_space<hbm>>
    %dma_start3A_124 = arith.constant 0 : i32
    %dma_start3A_125 = arith.constant 0 : i32
    %dma_start3A_126 = tpu.memref_slice %arg4[%dma_start3A_113, %dma_start3A_124, %dma_start3A_125] : memref<50x4096x128xf32, #tpu.memory_space<hbm>> -> memref<1x4096x128xf32, #tpu.memory_space<hbm>>
    %dma_start3A_127 = tpu.memref_squeeze %dma_start3A_126 : memref<1x4096x128xf32, #tpu.memory_space<hbm>> -> memref<4096x128xf32, #tpu.memory_space<hbm>>
    %dma_start3A_128 = arith.constant 0 : i32
    %dma_start3A_129 = tpu.memref_slice %dma_start3A_127[%mul3A_2, %dma_start3A_128] : memref<4096x128xf32, #tpu.memory_space<hbm>> -> memref<128x128xf32, #tpu.memory_space<hbm>>
    %dma_start3A_130 = arith.constant 0 : i32
    %dma_start3A_131 = arith.constant 0 : i32
    %dma_start3A_132 = tpu.memref_slice %arg6[%dma_start3A_112, %dma_start3A_130, %dma_start3A_131] : memref<5x128x128xf32, #tpu.memory_space<vmem>> -> memref<1x128x128xf32, #tpu.memory_space<vmem>>
    %dma_start3A_133 = tpu.memref_squeeze %dma_start3A_132 : memref<1x128x128xf32, #tpu.memory_space<vmem>> -> memref<128x128xf32, #tpu.memory_space<vmem>>
    tpu.enqueue_dma source(%dma_start3A_133 : memref<128x128xf32, #tpu.memory_space<vmem>>) target(%dma_start3A_129 : memref<128x128xf32, #tpu.memory_space<hbm>>) target_semaphore(%arg13 : memref<!tpu.dma_semaphore, #tpu.memory_space<semaphore_mem>>)
    %dma_wait3A_134 = arith.constant 47 : i32
    %dma_wait3A_135 = arith.constant 2 : i32
    %dma_wait3A_136 = arith.constant 0 : i32
    %dma_wait3A_137 = arith.constant 0 : i32
    %dma_wait3A_138 = tpu.memref_slice %arg6[%dma_wait3A_135, %dma_wait3A_136, %dma_wait3A_137] : memref<5x128x128xf32, #tpu.memory_space<vmem>> -> memref<1x128x128xf32, #tpu.memory_space<vmem>>
    %dma_wait3A_139 = tpu.memref_squeeze %dma_wait3A_138 : memref<1x128x128xf32, #tpu.memory_space<vmem>> -> memref<128x128xf32, #tpu.memory_space<vmem>>
    %dma_wait3A_140 = arith.constant 0 : i32
    %dma_wait3A_141 = tpu.memref_slice %arg5[%dma_wait3A_134, %dma_wait3A_140] : memref<50x128xi32, #tpu.memory_space<vmem>> -> memref<1x128xi32, #tpu.memory_space<vmem>>
    %dma_wait3A_142 = tpu.memref_squeeze %dma_wait3A_141 : memref<1x128xi32, #tpu.memory_space<vmem>> -> memref<128xi32, #tpu.memory_space<vmem>>
    %dma_wait3A_143 = arith.constant 0 : i32
    %dma_wait3A_144 = arith.constant 0 : i32
    %dma_wait3A_145 = tpu.memref_slice %arg3[%dma_wait3A_143, %dma_wait3A_144] : memref<100000x128xf32, #tpu.memory_space<hbm>> -> memref<100000x128xf32, #tpu.memory_space<hbm>>
    tpu.wait_indirect_dma semaphore(%arg9 : memref<!tpu.dma_semaphore, #tpu.memory_space<semaphore_mem>>) src(%dma_wait3A_145 : memref<100000x128xf32, #tpu.memory_space<hbm>>) dst(%dma_wait3A_139 : memref<128x128xf32, #tpu.memory_space<vmem>>)
    %dma_start3A_146 = arith.constant 2 : i32
    %dma_start3A_147 = arith.constant 47 : i32
    %dma_start3A_148 = arith.constant 0 : i32
    %dma_start3A_149 = arith.constant 0 : i32
    %dma_start3A_150 = tpu.memref_slice %arg6[%dma_start3A_146, %dma_start3A_148, %dma_start3A_149] : memref<5x128x128xf32, #tpu.memory_space<vmem>> -> memref<1x128x128xf32, #tpu.memory_space<vmem>>
    %dma_start3A_151 = tpu.memref_squeeze %dma_start3A_150 : memref<1x128x128xf32, #tpu.memory_space<vmem>> -> memref<128x128xf32, #tpu.memory_space<vmem>>
    %dma_start3A_152 = arith.constant 0 : i32
    %dma_start3A_153 = arith.constant 0 : i32
    %dma_start3A_154 = tpu.memref_slice %arg4[%dma_start3A_147, %dma_start3A_152, %dma_start3A_153] : memref<50x4096x128xf32, #tpu.memory_space<hbm>> -> memref<1x4096x128xf32, #tpu.memory_space<hbm>>
    %dma_start3A_155 = tpu.memref_squeeze %dma_start3A_154 : memref<1x4096x128xf32, #tpu.memory_space<hbm>> -> memref<4096x128xf32, #tpu.memory_space<hbm>>
    %dma_start3A_156 = arith.constant 0 : i32
    %dma_start3A_157 = tpu.memref_slice %dma_start3A_155[%mul3A_2, %dma_start3A_156] : memref<4096x128xf32, #tpu.memory_space<hbm>> -> memref<128x128xf32, #tpu.memory_space<hbm>>
    %dma_start3A_158 = arith.constant 0 : i32
    %dma_start3A_159 = arith.constant 0 : i32
    %dma_start3A_160 = tpu.memref_slice %arg4[%dma_start3A_147, %dma_start3A_158, %dma_start3A_159] : memref<50x4096x128xf32, #tpu.memory_space<hbm>> -> memref<1x4096x128xf32, #tpu.memory_space<hbm>>
    %dma_start3A_161 = tpu.memref_squeeze %dma_start3A_160 : memref<1x4096x128xf32, #tpu.memory_space<hbm>> -> memref<4096x128xf32, #tpu.memory_space<hbm>>
    %dma_start3A_162 = arith.constant 0 : i32
    %dma_start3A_163 = tpu.memref_slice %dma_start3A_161[%mul3A_2, %dma_start3A_162] : memref<4096x128xf32, #tpu.memory_space<hbm>> -> memref<128x128xf32, #tpu.memory_space<hbm>>
    %dma_start3A_164 = arith.constant 0 : i32
    %dma_start3A_165 = arith.constant 0 : i32
    %dma_start3A_166 = tpu.memref_slice %arg6[%dma_start3A_146, %dma_start3A_164, %dma_start3A_165] : memref<5x128x128xf32, #tpu.memory_space<vmem>> -> memref<1x128x128xf32, #tpu.memory_space<vmem>>
    %dma_start3A_167 = tpu.memref_squeeze %dma_start3A_166 : memref<1x128x128xf32, #tpu.memory_space<vmem>> -> memref<128x128xf32, #tpu.memory_space<vmem>>
    tpu.enqueue_dma source(%dma_start3A_167 : memref<128x128xf32, #tpu.memory_space<vmem>>) target(%dma_start3A_163 : memref<128x128xf32, #tpu.memory_space<hbm>>) target_semaphore(%arg14 : memref<!tpu.dma_semaphore, #tpu.memory_space<semaphore_mem>>)
    %dma_wait3A_168 = arith.constant 48 : i32
    %dma_wait3A_169 = arith.constant 3 : i32
    %dma_wait3A_170 = arith.constant 0 : i32
    %dma_wait3A_171 = arith.constant 0 : i32
    %dma_wait3A_172 = tpu.memref_slice %arg6[%dma_wait3A_169, %dma_wait3A_170, %dma_wait3A_171] : memref<5x128x128xf32, #tpu.memory_space<vmem>> -> memref<1x128x128xf32, #tpu.memory_space<vmem>>
    %dma_wait3A_173 = tpu.memref_squeeze %dma_wait3A_172 : memref<1x128x128xf32, #tpu.memory_space<vmem>> -> memref<128x128xf32, #tpu.memory_space<vmem>>
    %dma_wait3A_174 = arith.constant 0 : i32
    %dma_wait3A_175 = tpu.memref_slice %arg5[%dma_wait3A_168, %dma_wait3A_174] : memref<50x128xi32, #tpu.memory_space<vmem>> -> memref<1x128xi32, #tpu.memory_space<vmem>>
    %dma_wait3A_176 = tpu.memref_squeeze %dma_wait3A_175 : memref<1x128xi32, #tpu.memory_space<vmem>> -> memref<128xi32, #tpu.memory_space<vmem>>
    %dma_wait3A_177 = arith.constant 0 : i32
    %dma_wait3A_178 = arith.constant 0 : i32
    %dma_wait3A_179 = tpu.memref_slice %arg3[%dma_wait3A_177, %dma_wait3A_178] : memref<100000x128xf32, #tpu.memory_space<hbm>> -> memref<100000x128xf32, #tpu.memory_space<hbm>>
    tpu.wait_indirect_dma semaphore(%arg10 : memref<!tpu.dma_semaphore, #tpu.memory_space<semaphore_mem>>) src(%dma_wait3A_179 : memref<100000x128xf32, #tpu.memory_space<hbm>>) dst(%dma_wait3A_173 : memref<128x128xf32, #tpu.memory_space<vmem>>)
    %dma_start3A_180 = arith.constant 3 : i32
    %dma_start3A_181 = arith.constant 48 : i32
    %dma_start3A_182 = arith.constant 0 : i32
    %dma_start3A_183 = arith.constant 0 : i32
    %dma_start3A_184 = tpu.memref_slice %arg6[%dma_start3A_180, %dma_start3A_182, %dma_start3A_183] : memref<5x128x128xf32, #tpu.memory_space<vmem>> -> memref<1x128x128xf32, #tpu.memory_space<vmem>>
    %dma_start3A_185 = tpu.memref_squeeze %dma_start3A_184 : memref<1x128x128xf32, #tpu.memory_space<vmem>> -> memref<128x128xf32, #tpu.memory_space<vmem>>
    %dma_start3A_186 = arith.constant 0 : i32
    %dma_start3A_187 = arith.constant 0 : i32
    %dma_start3A_188 = tpu.memref_slice %arg4[%dma_start3A_181, %dma_start3A_186, %dma_start3A_187] : memref<50x4096x128xf32, #tpu.memory_space<hbm>> -> memref<1x4096x128xf32, #tpu.memory_space<hbm>>
    %dma_start3A_189 = tpu.memref_squeeze %dma_start3A_188 : memref<1x4096x128xf32, #tpu.memory_space<hbm>> -> memref<4096x128xf32, #tpu.memory_space<hbm>>
    %dma_start3A_190 = arith.constant 0 : i32
    %dma_start3A_191 = tpu.memref_slice %dma_start3A_189[%mul3A_2, %dma_start3A_190] : memref<4096x128xf32, #tpu.memory_space<hbm>> -> memref<128x128xf32, #tpu.memory_space<hbm>>
    %dma_start3A_192 = arith.constant 0 : i32
    %dma_start3A_193 = arith.constant 0 : i32
    %dma_start3A_194 = tpu.memref_slice %arg4[%dma_start3A_181, %dma_start3A_192, %dma_start3A_193] : memref<50x4096x128xf32, #tpu.memory_space<hbm>> -> memref<1x4096x128xf32, #tpu.memory_space<hbm>>
    %dma_start3A_195 = tpu.memref_squeeze %dma_start3A_194 : memref<1x4096x128xf32, #tpu.memory_space<hbm>> -> memref<4096x128xf32, #tpu.memory_space<hbm>>
    %dma_start3A_196 = arith.constant 0 : i32
    %dma_start3A_197 = tpu.memref_slice %dma_start3A_195[%mul3A_2, %dma_start3A_196] : memref<4096x128xf32, #tpu.memory_space<hbm>> -> memref<128x128xf32, #tpu.memory_space<hbm>>
    %dma_start3A_198 = arith.constant 0 : i32
    %dma_start3A_199 = arith.constant 0 : i32
    %dma_start3A_200 = tpu.memref_slice %arg6[%dma_start3A_180, %dma_start3A_198, %dma_start3A_199] : memref<5x128x128xf32, #tpu.memory_space<vmem>> -> memref<1x128x128xf32, #tpu.memory_space<vmem>>
    %dma_start3A_201 = tpu.memref_squeeze %dma_start3A_200 : memref<1x128x128xf32, #tpu.memory_space<vmem>> -> memref<128x128xf32, #tpu.memory_space<vmem>>
    tpu.enqueue_dma source(%dma_start3A_201 : memref<128x128xf32, #tpu.memory_space<vmem>>) target(%dma_start3A_197 : memref<128x128xf32, #tpu.memory_space<hbm>>) target_semaphore(%arg15 : memref<!tpu.dma_semaphore, #tpu.memory_space<semaphore_mem>>)
    %dma_wait3A_202 = arith.constant 49 : i32
    %dma_wait3A_203 = arith.constant 4 : i32
    %dma_wait3A_204 = arith.constant 0 : i32
    %dma_wait3A_205 = arith.constant 0 : i32
    %dma_wait3A_206 = tpu.memref_slice %arg6[%dma_wait3A_203, %dma_wait3A_204, %dma_wait3A_205] : memref<5x128x128xf32, #tpu.memory_space<vmem>> -> memref<1x128x128xf32, #tpu.memory_space<vmem>>
    %dma_wait3A_207 = tpu.memref_squeeze %dma_wait3A_206 : memref<1x128x128xf32, #tpu.memory_space<vmem>> -> memref<128x128xf32, #tpu.memory_space<vmem>>
    %dma_wait3A_208 = arith.constant 0 : i32
    %dma_wait3A_209 = tpu.memref_slice %arg5[%dma_wait3A_202, %dma_wait3A_208] : memref<50x128xi32, #tpu.memory_space<vmem>> -> memref<1x128xi32, #tpu.memory_space<vmem>>
    %dma_wait3A_210 = tpu.memref_squeeze %dma_wait3A_209 : memref<1x128xi32, #tpu.memory_space<vmem>> -> memref<128xi32, #tpu.memory_space<vmem>>
    %dma_wait3A_211 = arith.constant 0 : i32
    %dma_wait3A_212 = arith.constant 0 : i32
    %dma_wait3A_213 = tpu.memref_slice %arg3[%dma_wait3A_211, %dma_wait3A_212] : memref<100000x128xf32, #tpu.memory_space<hbm>> -> memref<100000x128xf32, #tpu.memory_space<hbm>>
    tpu.wait_indirect_dma semaphore(%arg11 : memref<!tpu.dma_semaphore, #tpu.memory_space<semaphore_mem>>) src(%dma_wait3A_213 : memref<100000x128xf32, #tpu.memory_space<hbm>>) dst(%dma_wait3A_207 : memref<128x128xf32, #tpu.memory_space<vmem>>)
    %dma_start3A_214 = arith.constant 4 : i32
    %dma_start3A_215 = arith.constant 49 : i32
    %dma_start3A_216 = arith.constant 0 : i32
    %dma_start3A_217 = arith.constant 0 : i32
    %dma_start3A_218 = tpu.memref_slice %arg6[%dma_start3A_214, %dma_start3A_216, %dma_start3A_217] : memref<5x128x128xf32, #tpu.memory_space<vmem>> -> memref<1x128x128xf32, #tpu.memory_space<vmem>>
    %dma_start3A_219 = tpu.memref_squeeze %dma_start3A_218 : memref<1x128x128xf32, #tpu.memory_space<vmem>> -> memref<128x128xf32, #tpu.memory_space<vmem>>
    %dma_start3A_220 = arith.constant 0 : i32
    %dma_start3A_221 = arith.constant 0 : i32
    %dma_start3A_222 = tpu.memref_slice %arg4[%dma_start3A_215, %dma_start3A_220, %dma_start3A_221] : memref<50x4096x128xf32, #tpu.memory_space<hbm>> -> memref<1x4096x128xf32, #tpu.memory_space<hbm>>
    %dma_start3A_223 = tpu.memref_squeeze %dma_start3A_222 : memref<1x4096x128xf32, #tpu.memory_space<hbm>> -> memref<4096x128xf32, #tpu.memory_space<hbm>>
    %dma_start3A_224 = arith.constant 0 : i32
    %dma_start3A_225 = tpu.memref_slice %dma_start3A_223[%mul3A_2, %dma_start3A_224] : memref<4096x128xf32, #tpu.memory_space<hbm>> -> memref<128x128xf32, #tpu.memory_space<hbm>>
    %dma_start3A_226 = arith.constant 0 : i32
    %dma_start3A_227 = arith.constant 0 : i32
    %dma_start3A_228 = tpu.memref_slice %arg4[%dma_start3A_215, %dma_start3A_226, %dma_start3A_227] : memref<50x4096x128xf32, #tpu.memory_space<hbm>> -> memref<1x4096x128xf32, #tpu.memory_space<hbm>>
    %dma_start3A_229 = tpu.memref_squeeze %dma_start3A_228 : memref<1x4096x128xf32, #tpu.memory_space<hbm>> -> memref<4096x128xf32, #tpu.memory_space<hbm>>
    %dma_start3A_230 = arith.constant 0 : i32
    %dma_start3A_231 = tpu.memref_slice %dma_start3A_229[%mul3A_2, %dma_start3A_230] : memref<4096x128xf32, #tpu.memory_space<hbm>> -> memref<128x128xf32, #tpu.memory_space<hbm>>
    %dma_start3A_232 = arith.constant 0 : i32
    %dma_start3A_233 = arith.constant 0 : i32
    %dma_start3A_234 = tpu.memref_slice %arg6[%dma_start3A_214, %dma_start3A_232, %dma_start3A_233] : memref<5x128x128xf32, #tpu.memory_space<vmem>> -> memref<1x128x128xf32, #tpu.memory_space<vmem>>
    %dma_start3A_235 = tpu.memref_squeeze %dma_start3A_234 : memref<1x128x128xf32, #tpu.memory_space<vmem>> -> memref<128x128xf32, #tpu.memory_space<vmem>>
    tpu.enqueue_dma source(%dma_start3A_235 : memref<128x128xf32, #tpu.memory_space<vmem>>) target(%dma_start3A_231 : memref<128x128xf32, #tpu.memory_space<hbm>>) target_semaphore(%arg16 : memref<!tpu.dma_semaphore, #tpu.memory_space<semaphore_mem>>)
    %dma_wait3A_236 = arith.constant 0 : i32
    %dma_wait3A_237 = arith.constant 45 : i32
    %dma_wait3A_238 = arith.constant 0 : i32
    %dma_wait3A_239 = arith.constant 0 : i32
    %dma_wait3A_240 = tpu.memref_slice %arg6[%dma_wait3A_236, %dma_wait3A_238, %dma_wait3A_239] : memref<5x128x128xf32, #tpu.memory_space<vmem>> -> memref<1x128x128xf32, #tpu.memory_space<vmem>>
    %dma_wait3A_241 = tpu.memref_squeeze %dma_wait3A_240 : memref<1x128x128xf32, #tpu.memory_space<vmem>> -> memref<128x128xf32, #tpu.memory_space<vmem>>
    %dma_wait3A_242 = arith.constant 0 : i32
    %dma_wait3A_243 = arith.constant 0 : i32
    %dma_wait3A_244 = tpu.memref_slice %arg4[%dma_wait3A_237, %dma_wait3A_242, %dma_wait3A_243] : memref<50x4096x128xf32, #tpu.memory_space<hbm>> -> memref<1x4096x128xf32, #tpu.memory_space<hbm>>
    %dma_wait3A_245 = tpu.memref_squeeze %dma_wait3A_244 : memref<1x4096x128xf32, #tpu.memory_space<hbm>> -> memref<4096x128xf32, #tpu.memory_space<hbm>>
    %dma_wait3A_246 = arith.constant 0 : i32
    %dma_wait3A_247 = tpu.memref_slice %dma_wait3A_245[%mul3A_2, %dma_wait3A_246] : memref<4096x128xf32, #tpu.memory_space<hbm>> -> memref<128x128xf32, #tpu.memory_space<hbm>>
    %dma_wait3A_248 = arith.constant 0 : i32
    %dma_wait3A_249 = arith.constant 0 : i32
    %dma_wait3A_250 = tpu.memref_slice %arg4[%dma_wait3A_237, %dma_wait3A_248, %dma_wait3A_249] : memref<50x4096x128xf32, #tpu.memory_space<hbm>> -> memref<1x4096x128xf32, #tpu.memory_space<hbm>>
    %dma_wait3A_251 = tpu.memref_squeeze %dma_wait3A_250 : memref<1x4096x128xf32, #tpu.memory_space<hbm>> -> memref<4096x128xf32, #tpu.memory_space<hbm>>
    %dma_wait3A_252 = arith.constant 0 : i32
    %dma_wait3A_253 = tpu.memref_slice %dma_wait3A_251[%mul3A_2, %dma_wait3A_252] : memref<4096x128xf32, #tpu.memory_space<hbm>> -> memref<128x128xf32, #tpu.memory_space<hbm>>
    %dma_wait3A_254 = arith.constant 0 : i32
    %dma_wait3A_255 = arith.constant 0 : i32
    %dma_wait3A_256 = tpu.memref_slice %arg6[%dma_wait3A_236, %dma_wait3A_254, %dma_wait3A_255] : memref<5x128x128xf32, #tpu.memory_space<vmem>> -> memref<1x128x128xf32, #tpu.memory_space<vmem>>
    %dma_wait3A_257 = tpu.memref_squeeze %dma_wait3A_256 : memref<1x128x128xf32, #tpu.memory_space<vmem>> -> memref<128x128xf32, #tpu.memory_space<vmem>>
    tpu.wait_dma2 semaphore(%arg12 : memref<!tpu.dma_semaphore, #tpu.memory_space<semaphore_mem>>) src(%dma_wait3A_257 : memref<128x128xf32, #tpu.memory_space<vmem>>) dst(%dma_wait3A_253 : memref<128x128xf32, #tpu.memory_space<hbm>>)
    %dma_wait3A_258 = arith.constant 1 : i32
    %dma_wait3A_259 = arith.constant 46 : i32
    %dma_wait3A_260 = arith.constant 0 : i32
    %dma_wait3A_261 = arith.constant 0 : i32
    %dma_wait3A_262 = tpu.memref_slice %arg6[%dma_wait3A_258, %dma_wait3A_260, %dma_wait3A_261] : memref<5x128x128xf32, #tpu.memory_space<vmem>> -> memref<1x128x128xf32, #tpu.memory_space<vmem>>
    %dma_wait3A_263 = tpu.memref_squeeze %dma_wait3A_262 : memref<1x128x128xf32, #tpu.memory_space<vmem>> -> memref<128x128xf32, #tpu.memory_space<vmem>>
    %dma_wait3A_264 = arith.constant 0 : i32
    %dma_wait3A_265 = arith.constant 0 : i32
    %dma_wait3A_266 = tpu.memref_slice %arg4[%dma_wait3A_259, %dma_wait3A_264, %dma_wait3A_265] : memref<50x4096x128xf32, #tpu.memory_space<hbm>> -> memref<1x4096x128xf32, #tpu.memory_space<hbm>>
    %dma_wait3A_267 = tpu.memref_squeeze %dma_wait3A_266 : memref<1x4096x128xf32, #tpu.memory_space<hbm>> -> memref<4096x128xf32, #tpu.memory_space<hbm>>
    %dma_wait3A_268 = arith.constant 0 : i32
    %dma_wait3A_269 = tpu.memref_slice %dma_wait3A_267[%mul3A_2, %dma_wait3A_268] : memref<4096x128xf32, #tpu.memory_space<hbm>> -> memref<128x128xf32, #tpu.memory_space<hbm>>
    %dma_wait3A_270 = arith.constant 0 : i32
    %dma_wait3A_271 = arith.constant 0 : i32
    %dma_wait3A_272 = tpu.memref_slice %arg4[%dma_wait3A_259, %dma_wait3A_270, %dma_wait3A_271] : memref<50x4096x128xf32, #tpu.memory_space<hbm>> -> memref<1x4096x128xf32, #tpu.memory_space<hbm>>
    %dma_wait3A_273 = tpu.memref_squeeze %dma_wait3A_272 : memref<1x4096x128xf32, #tpu.memory_space<hbm>> -> memref<4096x128xf32, #tpu.memory_space<hbm>>
    %dma_wait3A_274 = arith.constant 0 : i32
    %dma_wait3A_275 = tpu.memref_slice %dma_wait3A_273[%mul3A_2, %dma_wait3A_274] : memref<4096x128xf32, #tpu.memory_space<hbm>> -> memref<128x128xf32, #tpu.memory_space<hbm>>
    %dma_wait3A_276 = arith.constant 0 : i32
    %dma_wait3A_277 = arith.constant 0 : i32
    %dma_wait3A_278 = tpu.memref_slice %arg6[%dma_wait3A_258, %dma_wait3A_276, %dma_wait3A_277] : memref<5x128x128xf32, #tpu.memory_space<vmem>> -> memref<1x128x128xf32, #tpu.memory_space<vmem>>
    %dma_wait3A_279 = tpu.memref_squeeze %dma_wait3A_278 : memref<1x128x128xf32, #tpu.memory_space<vmem>> -> memref<128x128xf32, #tpu.memory_space<vmem>>
    tpu.wait_dma2 semaphore(%arg13 : memref<!tpu.dma_semaphore, #tpu.memory_space<semaphore_mem>>) src(%dma_wait3A_279 : memref<128x128xf32, #tpu.memory_space<vmem>>) dst(%dma_wait3A_275 : memref<128x128xf32, #tpu.memory_space<hbm>>)
    %dma_wait3A_280 = arith.constant 2 : i32
    %dma_wait3A_281 = arith.constant 47 : i32
    %dma_wait3A_282 = arith.constant 0 : i32
    %dma_wait3A_283 = arith.constant 0 : i32
    %dma_wait3A_284 = tpu.memref_slice %arg6[%dma_wait3A_280, %dma_wait3A_282, %dma_wait3A_283] : memref<5x128x128xf32, #tpu.memory_space<vmem>> -> memref<1x128x128xf32, #tpu.memory_space<vmem>>
    %dma_wait3A_285 = tpu.memref_squeeze %dma_wait3A_284 : memref<1x128x128xf32, #tpu.memory_space<vmem>> -> memref<128x128xf32, #tpu.memory_space<vmem>>
    %dma_wait3A_286 = arith.constant 0 : i32
    %dma_wait3A_287 = arith.constant 0 : i32
    %dma_wait3A_288 = tpu.memref_slice %arg4[%dma_wait3A_281, %dma_wait3A_286, %dma_wait3A_287] : memref<50x4096x128xf32, #tpu.memory_space<hbm>> -> memref<1x4096x128xf32, #tpu.memory_space<hbm>>
    %dma_wait3A_289 = tpu.memref_squeeze %dma_wait3A_288 : memref<1x4096x128xf32, #tpu.memory_space<hbm>> -> memref<4096x128xf32, #tpu.memory_space<hbm>>
    %dma_wait3A_290 = arith.constant 0 : i32
    %dma_wait3A_291 = tpu.memref_slice %dma_wait3A_289[%mul3A_2, %dma_wait3A_290] : memref<4096x128xf32, #tpu.memory_space<hbm>> -> memref<128x128xf32, #tpu.memory_space<hbm>>
    %dma_wait3A_292 = arith.constant 0 : i32
    %dma_wait3A_293 = arith.constant 0 : i32
    %dma_wait3A_294 = tpu.memref_slice %arg4[%dma_wait3A_281, %dma_wait3A_292, %dma_wait3A_293] : memref<50x4096x128xf32, #tpu.memory_space<hbm>> -> memref<1x4096x128xf32, #tpu.memory_space<hbm>>
    %dma_wait3A_295 = tpu.memref_squeeze %dma_wait3A_294 : memref<1x4096x128xf32, #tpu.memory_space<hbm>> -> memref<4096x128xf32, #tpu.memory_space<hbm>>
    %dma_wait3A_296 = arith.constant 0 : i32
    %dma_wait3A_297 = tpu.memref_slice %dma_wait3A_295[%mul3A_2, %dma_wait3A_296] : memref<4096x128xf32, #tpu.memory_space<hbm>> -> memref<128x128xf32, #tpu.memory_space<hbm>>
    %dma_wait3A_298 = arith.constant 0 : i32
    %dma_wait3A_299 = arith.constant 0 : i32
    %dma_wait3A_300 = tpu.memref_slice %arg6[%dma_wait3A_280, %dma_wait3A_298, %dma_wait3A_299] : memref<5x128x128xf32, #tpu.memory_space<vmem>> -> memref<1x128x128xf32, #tpu.memory_space<vmem>>
    %dma_wait3A_301 = tpu.memref_squeeze %dma_wait3A_300 : memref<1x128x128xf32, #tpu.memory_space<vmem>> -> memref<128x128xf32, #tpu.memory_space<vmem>>
    tpu.wait_dma2 semaphore(%arg14 : memref<!tpu.dma_semaphore, #tpu.memory_space<semaphore_mem>>) src(%dma_wait3A_301 : memref<128x128xf32, #tpu.memory_space<vmem>>) dst(%dma_wait3A_297 : memref<128x128xf32, #tpu.memory_space<hbm>>)
    %dma_wait3A_302 = arith.constant 3 : i32
    %dma_wait3A_303 = arith.constant 48 : i32
    %dma_wait3A_304 = arith.constant 0 : i32
    %dma_wait3A_305 = arith.constant 0 : i32
    %dma_wait3A_306 = tpu.memref_slice %arg6[%dma_wait3A_302, %dma_wait3A_304, %dma_wait3A_305] : memref<5x128x128xf32, #tpu.memory_space<vmem>> -> memref<1x128x128xf32, #tpu.memory_space<vmem>>
    %dma_wait3A_307 = tpu.memref_squeeze %dma_wait3A_306 : memref<1x128x128xf32, #tpu.memory_space<vmem>> -> memref<128x128xf32, #tpu.memory_space<vmem>>
    %dma_wait3A_308 = arith.constant 0 : i32
    %dma_wait3A_309 = arith.constant 0 : i32
    %dma_wait3A_310 = tpu.memref_slice %arg4[%dma_wait3A_303, %dma_wait3A_308, %dma_wait3A_309] : memref<50x4096x128xf32, #tpu.memory_space<hbm>> -> memref<1x4096x128xf32, #tpu.memory_space<hbm>>
    %dma_wait3A_311 = tpu.memref_squeeze %dma_wait3A_310 : memref<1x4096x128xf32, #tpu.memory_space<hbm>> -> memref<4096x128xf32, #tpu.memory_space<hbm>>
    %dma_wait3A_312 = arith.constant 0 : i32
    %dma_wait3A_313 = tpu.memref_slice %dma_wait3A_311[%mul3A_2, %dma_wait3A_312] : memref<4096x128xf32, #tpu.memory_space<hbm>> -> memref<128x128xf32, #tpu.memory_space<hbm>>
    %dma_wait3A_314 = arith.constant 0 : i32
    %dma_wait3A_315 = arith.constant 0 : i32
    %dma_wait3A_316 = tpu.memref_slice %arg4[%dma_wait3A_303, %dma_wait3A_314, %dma_wait3A_315] : memref<50x4096x128xf32, #tpu.memory_space<hbm>> -> memref<1x4096x128xf32, #tpu.memory_space<hbm>>
    %dma_wait3A_317 = tpu.memref_squeeze %dma_wait3A_316 : memref<1x4096x128xf32, #tpu.memory_space<hbm>> -> memref<4096x128xf32, #tpu.memory_space<hbm>>
    %dma_wait3A_318 = arith.constant 0 : i32
    %dma_wait3A_319 = tpu.memref_slice %dma_wait3A_317[%mul3A_2, %dma_wait3A_318] : memref<4096x128xf32, #tpu.memory_space<hbm>> -> memref<128x128xf32, #tpu.memory_space<hbm>>
    %dma_wait3A_320 = arith.constant 0 : i32
    %dma_wait3A_321 = arith.constant 0 : i32
    %dma_wait3A_322 = tpu.memref_slice %arg6[%dma_wait3A_302, %dma_wait3A_320, %dma_wait3A_321] : memref<5x128x128xf32, #tpu.memory_space<vmem>> -> memref<1x128x128xf32, #tpu.memory_space<vmem>>
    %dma_wait3A_323 = tpu.memref_squeeze %dma_wait3A_322 : memref<1x128x128xf32, #tpu.memory_space<vmem>> -> memref<128x128xf32, #tpu.memory_space<vmem>>
    tpu.wait_dma2 semaphore(%arg15 : memref<!tpu.dma_semaphore, #tpu.memory_space<semaphore_mem>>) src(%dma_wait3A_323 : memref<128x128xf32, #tpu.memory_space<vmem>>) dst(%dma_wait3A_319 : memref<128x128xf32, #tpu.memory_space<hbm>>)
    %dma_wait3A_324 = arith.constant 4 : i32
    %dma_wait3A_325 = arith.constant 49 : i32
    %dma_wait3A_326 = arith.constant 0 : i32
    %dma_wait3A_327 = arith.constant 0 : i32
    %dma_wait3A_328 = tpu.memref_slice %arg6[%dma_wait3A_324, %dma_wait3A_326, %dma_wait3A_327] : memref<5x128x128xf32, #tpu.memory_space<vmem>> -> memref<1x128x128xf32, #tpu.memory_space<vmem>>
    %dma_wait3A_329 = tpu.memref_squeeze %dma_wait3A_328 : memref<1x128x128xf32, #tpu.memory_space<vmem>> -> memref<128x128xf32, #tpu.memory_space<vmem>>
    %dma_wait3A_330 = arith.constant 0 : i32
    %dma_wait3A_331 = arith.constant 0 : i32
    %dma_wait3A_332 = tpu.memref_slice %arg4[%dma_wait3A_325, %dma_wait3A_330, %dma_wait3A_331] : memref<50x4096x128xf32, #tpu.memory_space<hbm>> -> memref<1x4096x128xf32, #tpu.memory_space<hbm>>
    %dma_wait3A_333 = tpu.memref_squeeze %dma_wait3A_332 : memref<1x4096x128xf32, #tpu.memory_space<hbm>> -> memref<4096x128xf32, #tpu.memory_space<hbm>>
    %dma_wait3A_334 = arith.constant 0 : i32
    %dma_wait3A_335 = tpu.memref_slice %dma_wait3A_333[%mul3A_2, %dma_wait3A_334] : memref<4096x128xf32, #tpu.memory_space<hbm>> -> memref<128x128xf32, #tpu.memory_space<hbm>>
    %dma_wait3A_336 = arith.constant 0 : i32
    %dma_wait3A_337 = arith.constant 0 : i32
    %dma_wait3A_338 = tpu.memref_slice %arg4[%dma_wait3A_325, %dma_wait3A_336, %dma_wait3A_337] : memref<50x4096x128xf32, #tpu.memory_space<hbm>> -> memref<1x4096x128xf32, #tpu.memory_space<hbm>>
    %dma_wait3A_339 = tpu.memref_squeeze %dma_wait3A_338 : memref<1x4096x128xf32, #tpu.memory_space<hbm>> -> memref<4096x128xf32, #tpu.memory_space<hbm>>
    %dma_wait3A_340 = arith.constant 0 : i32
    %dma_wait3A_341 = tpu.memref_slice %dma_wait3A_339[%mul3A_2, %dma_wait3A_340] : memref<4096x128xf32, #tpu.memory_space<hbm>> -> memref<128x128xf32, #tpu.memory_space<hbm>>
    %dma_wait3A_342 = arith.constant 0 : i32
    %dma_wait3A_343 = arith.constant 0 : i32
    %dma_wait3A_344 = tpu.memref_slice %arg6[%dma_wait3A_324, %dma_wait3A_342, %dma_wait3A_343] : memref<5x128x128xf32, #tpu.memory_space<vmem>> -> memref<1x128x128xf32, #tpu.memory_space<vmem>>
    %dma_wait3A_345 = tpu.memref_squeeze %dma_wait3A_344 : memref<1x128x128xf32, #tpu.memory_space<vmem>> -> memref<128x128xf32, #tpu.memory_space<vmem>>
    tpu.wait_dma2 semaphore(%arg16 : memref<!tpu.dma_semaphore, #tpu.memory_space<semaphore_mem>>) src(%dma_wait3A_345 : memref<128x128xf32, #tpu.memory_space<vmem>>) dst(%dma_wait3A_341 : memref<128x128xf32, #tpu.memory_space<hbm>>)
    return
  }
}

module attributes {stable_mosaic.version = 14 : i64} {
  func.func @_mask_body(%arg0: memref<4096x50xi32, #tpu.memory_space<vmem>>, %arg1: memref<4096x50xi32, #tpu.memory_space<vmem>>) attributes {dimension_semantics = [], scalar_prefetch = 0 : i64, scratch_operands = 0 : i64, tpu.core_type = #tpu.core_type<tc>} {
    %get3A = arith.constant 0 : index
    %get3A_0 = arith.constant 0 : index
    %get3A_1 = vector.load %arg0[%get3A, %get3A_0] : memref<4096x50xi32, #tpu.memory_space<vmem>>, vector<4096x50xi32>
    %ne3A = arith.constant 0 : i32
    %ne3A_2 = vector.broadcast %ne3A : i32 to vector<4096x50xi32>
    %ne3A_3 = arith.cmpi ne, %get3A_1, %ne3A_2 : vector<4096x50xi32>
    %convert_element_type3A = arith.extui %ne3A_3 : vector<4096x50xi1> to vector<4096x50xi32>
    %swap3A = arith.constant 0 : index
    %swap3A_4 = arith.constant 0 : index
    %swap3A_5 = vector.load %arg1[%swap3A, %swap3A_4] : memref<4096x50xi32, #tpu.memory_space<vmem>>, vector<4096x50xi32>
    tpu.vector_store %arg1[%swap3A, %swap3A_4], %convert_element_type3A {strides = array<i32>} : memref<4096x50xi32, #tpu.memory_space<vmem>>, vector<4096x50xi32>,
    return
  }
}

</mosaic_0001>

<sc_bundles>
// kernel: kernel.4.cloned.1.call-start
scs
__scs_entry_jumppad:
0x0: {  	(pc) =	sbr.rel $0x88, $3  }
0x1: {  	(tag) =	ssettag $0x0;
	lr =	simm.s32 $0x1  }
0x2: {  	[smem:$0x3F9F] =	sst lr;
	_ =	strace $0xD0000000  }
0x3: {  	_ = 	snop  }
0x4: {  	_ = 	snop  }
0x5: {  	_ = 	snop  }
0x6: {  	_ = 	snop  }
0x7: {  	_ = 	snop  }
__scs_overlays_trampoline_lowered:
0x8: {  	[smem:$0x3FAE] =	sst s0  }
0x9: {  	[smem:$0x3FAF] =	sst s1  }
0xa: {  	[smem:$0x3FB0] =	sst s2  }
0xb: {  	[smem:$0x3FB1] =	sst s3  }
0xc: {  	[smem:$0x3FB2] =	sst s4  }
0xd: {  	[smem:$0x3FB3] =	sst s5  }
0xe: {  	[smem:$0x3FB4] =	sst s6  }
0xf: {  	[smem:$0x3FB5] =	sst s7  }
0x10: {  	[smem:$0x3FB6] =	sst s8  }
0x11: {  	[smem:$0x3FB7] =	sst s9;
	s0 =	simm.s32 @!p0 $0x0  }
0x12: {  	s1 =	sld [smem:$0x3F9D];
	s0 =	simm.s32 @p0 $0x1  }
0x13: {  	[smem:$0x3FB8] =	sst s0;
	s0 =	simm.s32 @!p1 $0x0  }
0x14: {  	s2 =	sld [smem:$0x3F9C];
	s0 =	simm.s32 @p1 $0x1  }
0x15: {  	[smem:$0x3FB9] =	sst s0;
	s0 =	simm.s32 @!p2 $0x0  }
0x16: {  	s3 =	sld [smem:$0x3FDB];
	s0 =	simm.s32 @p2 $0x1  }
0x17: {  	s4 =	simm.s32 $0x1BF5;
	[smem:$0x3FBB] =	sst s0  }
0x18: {  	s0 =	sld [smem:$0x3F9E];
	_ =	swait.ge [sflag:s4], $0x0  }
0x19: {  	s7 =	sld [smem:$0x3F9F]  }
0x1a: {  	s8 =	sadd.s32 $0xFFFFE003, lr  }
0x1b: {  	s9 =	sadd.s32 $0xFFFFFEF7, lr;
	s5 =	simm.s32 $0xFFFFFFFF;
	p2 =	slt.u32 s8, $0xFFFFF086  }
0x1c: {  	p1 =	slt.u32 s9, $0xF7A;
	s5 =	simm.s32 @!p2 $0x0  }
0x1d: {  	s5 =	simm.s32 @p1 $0x1;
	p0 =	seq.s32 s7, s2  }
0x1e: {  	s7 =	smul.u32 @!p0 $0xF7A, s2;
	p2 =	seq.s32 @!p0 s5, $0x0  }
0x1f: {  	s9 =	smul.u32 $0xF7A, s1;
	s8 =	simm.s32 @!p0 $0x1BF5;
	p2 =	por !p2, p0  }
0x20: {  	[sflag:s8] =	ssyncset.s32 @!p0 $0xFFFFF086;
	s6 =	sadd.s32 @!p0 s3, s7;
	s7 =	simm.s32 @!p0 $0x108  }
0x21: {  	s3 =	sadd.s32 s3, s9;
	s6 =	sadd.s32 @!p0 $0x88, s6;
	s7 =	simm.s32 @p2 $0x1082  }
0x22: {  	[simem:s7], [sflag:s8] =	dma.local @!p0 [hbm:s6], $0xF7A  }
0x23: {  	s9 =	sor.u32 $0xD0000000, s2;
	s6 =	simm.s32 $0x108;
	_ =	swait.ge @!p0 [sflag:s8], $0x0  }
0x24: {  	s3 =	sadd.s32 $0x88, s3;
	s6 =	simm.s32 @!p1 $0x1082;
	[sflag:s4] =	ssyncset.s32 $0xFFFFF086  }
0x25: {  	[simem:s6], [sflag:s4] =	dma.local [hbm:s3], $0xF7A  }
0x26: {  	[smem:$0x3F9F] =	sst s1;
	(tag) =	ssettag s2;
	_ =	strace s9  }
0x27: {  	s1 =	sld [smem:$0x3FAF]  }
0x28: {  	s2 =	sld [smem:$0x3FB0]  }
0x29: {  	s4 =	sld [smem:$0x3FB2]  }
0x2a: {  	p0 =	seq.s32 s5, $0x0;
	s5 =	sld [smem:$0x3FB3]  }
0x2b: {  	s6 =	sld [smem:$0x3FB4]  }
0x2c: {  	s7 =	sld [smem:$0x3FB5]  }
0x2d: {  	s3 =	simm.s32 $0x108;
	s8 =	sld [smem:$0x3FB6]  }
0x2e: {  	s3 =	simm.s32 @!p0 $0x1082;
	s9 =	sld [smem:$0x3FB7]  }
0x2f: {  	lr =	sadd.s32 s0, s3;
	s0 =	sld [smem:$0x3FAE]  }
0x30: {  	s3 =	sld [smem:$0x3FB1]  }
0x31: {  	[smem:$0x3FBA] =	sst s10  }
0x32: {  	s10 =	sld [smem:$0x3FB8];
	_ =	sdelay $0x3  }
0x33: {  	p0 =	seq.s32 s10, $0x1;
	s10 =	sld [smem:$0x3FBA];
	_ =	sdelay $0x3  }
0x34: {  	[smem:$0x3FBA] =	sst s10  }
0x35: {  	s10 =	sld [smem:$0x3FB9];
	_ =	sdelay $0x3  }
0x36: {  	p1 =	seq.s32 s10, $0x1;
	s10 =	sld [smem:$0x3FBA];
	_ =	sdelay $0x3  }
0x37: {  	[smem:$0x3FBA] =	sst s10  }
0x38: {  	s10 =	sld [smem:$0x3FBB]  }
0x39: {  	_ = 	snop;
	(pc) =	sbr.ind lr, $3  }
0x3a: {  	_ = 	snop  }
0x3b: {  	_ = 	snop  }
0x3c: {  	p2 =	seq.s32 s10, $0x1;
	s10 =	sld [smem:$0x3FBA]  }
0x3d: {  	_ =	shalt  }
0x3e: {  	_ =	shalt  }
0x3f: {  	_ =	shalt  }
0x40: {  	_ =	shalt  }
0x41: {  	_ =	shalt  }
0x42: {  	_ =	shalt  }
0x43: {  	_ =	shalt  }
0x44: {  	_ =	shalt  }
0x45: {  	_ =	shalt  }
0x46: {  	_ =	shalt  }
0x47: {  	_ =	shalt  }
0x48: {  	_ =	shalt  }
0x49: {  	_ =	shalt  }
0x4a: {  	_ =	shalt  }
0x4b: {  	_ =	shalt  }
0x4c: {  	_ =	shalt  }
0x4d: {  	_ =	shalt  }
0x4e: {  	_ =	shalt  }
0x4f: {  	_ =	shalt  }
0x50: {  	_ =	shalt  }
0x51: {  	_ =	shalt  }
0x52: {  	_ =	shalt  }
0x53: {  	_ =	shalt  }
0x54: {  	_ =	shalt  }
0x55: {  	_ =	shalt  }
0x56: {  	_ =	shalt  }
0x57: {  	_ =	shalt  }
0x58: {  	_ =	shalt  }
0x59: {  	_ =	shalt  }
0x5a: {  	_ =	shalt  }
0x5b: {  	_ =	shalt  }
0x5c: {  	_ =	shalt  }
0x5d: {  	_ =	shalt  }
0x5e: {  	_ =	shalt  }
0x5f: {  	_ =	shalt  }
0x60: {  	_ =	shalt  }
0x61: {  	_ =	shalt  }
0x62: {  	_ =	shalt  }
0x63: {  	_ =	shalt  }
0x64: {  	_ =	shalt  }
0x65: {  	_ =	shalt  }
0x66: {  	_ =	shalt  }
0x67: {  	_ =	shalt  }
0x68: {  	_ =	shalt  }
0x69: {  	_ =	shalt  }
0x6a: {  	_ =	shalt  }
0x6b: {  	_ =	shalt  }
0x6c: {  	_ =	shalt  }
0x6d: {  	_ =	shalt  }
0x6e: {  	_ =	shalt  }
0x6f: {  	_ =	shalt  }
0x70: {  	_ =	shalt  }
0x71: {  	_ =	shalt  }
0x72: {  	_ =	shalt  }
0x73: {  	_ =	shalt  }
0x74: {  	_ =	shalt  }
0x75: {  	_ =	shalt  }
0x76: {  	_ =	shalt  }
0x77: {  	_ =	shalt  }
0x78: {  	_ =	shalt  }
0x79: {  	_ =	shalt  }
0x7a: {  	_ =	shalt  }
0x7b: {  	_ =	shalt  }
0x7c: {  	_ =	shalt  }
0x7d: {  	_ =	shalt  }
0x7e: {  	_ =	shalt  }
0x7f: {  	_ =	shalt  }
0x80: {  	_ =	shalt  }
0x81: {  	_ =	shalt  }
0x82: {  	_ =	shalt  }
0x83: {  	_ =	shalt  }
0x84: {  	_ =	shalt  }
0x85: {  	_ =	shalt  }
0x86: {  	_ =	shalt  }
0x87: {  	_ =	shalt  }
.Lfunc_end0:
.L_simem_size_0:
called_computation_lowered:
.L_overlay_start_0:
0x88: {  	s2 =	sld [smem:$0x3FD9]  }
0x89: {  	s3 =	sld [smem:$0x3FFE];
	_ =	sdelay $0x1  }
0x8a: {  	s1 =	srdreg.scid  }
0x8b: {  	s0 =	sand.u32 $0x1, s1  }
0x8c: {  	s14 =	sshll.u32 s0, $0xA;
	s2 =	sadd.s32 s3, s2  }
0x8d: {  	s2 =	sadd.s32 s2, s14  }
0x8e: {  	[smem:$0x3FC6] =	sst s2  }
0x8f: {  	_ = 	snop  }
0x90: {  	s2 =	sld [smem:$0x3FD0];
	_ =	sdelay $0x2  }
0x91: {  	s4 =	simm.s32 $0xA;
	s5 =	simm.s32 $0x10;
	s15 =	sld [smem:$0x3FC8]  }
0x92: {  	[smem:s5], [sflag:s4] =	dma.local [hbm:s2], $0x1  }
0x93: {  	_ =	swait.eq [sflag:s4], $0x1  }
0x94: {  	[sflag:s4] =	ssyncset.done $0x0  }
0x95: {  	[sflag:s4] =	ssyncadd.s32 $0xFFFFFFFF  }
0x96: {  	s16 =	sld [smem:$0x10];
	(tm) =	ssettm $0x1  }
0x97: {  	s17 =	sld [smem:$0x3FFB];
	_ =	sdelay $0x3  }
0x98: {  	_ =	strace s17  }
0x99: {  	s4 =	sld [smem:$0x3FFC];
	_ =	sdelay $0x3  }
0x9a: {  	_ =	strace s4  }
0x9b: {  	s4 =	sld [smem:$0x3FFD];
	_ =	sdelay $0x3  }
0x9c: {  	_ =	strace s4  }
0x9d: {  	_ =	strace $0x8FFFFFFF  }
0x9e: {  	s18 =	sld [smem:$0x3FDB];
	_ =	sdelay $0x1  }
0x9f: {  	s19 =	simm.s32 $_scs_section_size  }
0xa0: {  	s6 =	simm.s32 $_size__tile_overlayer_lowered;
	s7 =	simm.s32 $_tile_overlayer_lowered  }
0xa1: {  	s22 =	simm.s32 $0x1BFF;
	s21 =	sshll.u32 s7, $0x1;
	s4 =	sadd.s32 s19, s18  }
0xa2: {  	s8 =	simm.s32 $0x0;
	s20 =	sshll.u32 s6, $0x1;
	s6 =	sadd.s32 s21, s4  }
0xa3: {  	[timem:s8], [sflag:s22] =	dma.local [hbm:s6], s20  }
0xa4: {  	_ =	swait.ge [sflag:s22], s20  }
0xa5: {  	s5 =	ssub.s32 $0x0, s20;
	[sflag:s22] =	ssyncset.done $0x0  }
0xa6: {  	[sflag:s22] =	ssyncadd.s32 s5;
	_ =	sdelay $0x1  }
0xa7: {  	s23 =	simm.s32 $0x1B8B  }
0xa8: {  	_ =	swait.ge [sflag:s23], $0x1  }
0xa9: {  	[sflag:s23] =	ssyncset.done $0x0  }
0xaa: {  	s25 =	simm.s32 $0x1B8E;
	s24 =	sld [smem:$0x3FFE];
	[sflag:s23] =	ssyncadd.s32 $0xFFFFFFFF  }
0xab: {  	s26 =	simm.s32 $execute0_lowered;
	[smem:$0x3FD2] =	sst s25  }
0xac: {  	s6 =	sshll.u32 s26, $0x1;
	_ =	strace $0x80000046;
	[dreg:$0x1] =	wrdreg $0xFFFFFFFF  }
0xad: {  	s28 =	simm.s32 $_size_execute0_lowered;
	s4 =	sadd.s32 s4, s6;
	[dreg:$0x0] =	wrdreg $0x0  }
0xae: {  	s6 =	sshll.u32 s28, $0x1;
	[dreg:$0x2] =	wrdreg s4  }
0xaf: {  	[dreg:$0x3] =	wrdreg s6  }
0xb0: {  	[dreg:$0x4] =	wrdreg $0xC0  }
0xb1: {  	_ =	task [dreg:s8], $0x5FFFF  }
0xb2: {  	[dreg:$0x1] =	wrdreg $0xFFFFFFFF  }
0xb3: {  	[dreg:$0x0] =	wrdreg $0x60  }
0xb4: {  	[dreg:$0x2] =	wrdreg s24  }
0xb5: {  	[dreg:$0x3] =	wrdreg s15  }
0xb6: {  	[dreg:$0x4] =	wrdreg s16  }
0xb7: {  	[dreg:$0x5] =	wrdreg $0x9  }
0xb8: {  	_ =	task.clear_ibuf [dreg:s8], $0x6FFFF;
	_ =	strace $0x90000046  }
0xb9: {  	s29 =	simm.s32 $0x9;
	_ =	strace $0x80000048  }
0xba: {  	_ =	swait.ge [sflag:s29], $0x1  }
0xbb: {  	[sflag:s29] =	ssyncadd.s32 $0xFFFFFFFF  }
0xbc: {  	_ =	strace $0x90000048  }
0xbd: {  	_ =	sfence  }
0xbe: {  	s30 =	sld [smem:$0x0];
	_ =	sdelay $0x2  }
0xbf: {  	s31 =	sshll.u32 s1, $0xD;
	s1 =	sshrl.u32 s1, $0x2  }
0xc0: {  	s3 =	sand.u32 $0x4000, s31;
	s1 =	sadd.s32 s1, s30  }
0xc1: {  	s0 =	sor.u32 s3, s0;
	s1 =	sshll.u32 s1, $0x11  }
0xc2: {  	s0 =	sor.u32 s1, s0  }
0xc3: {  	s0 =	sadd.s32 $0x8F2B, s0  }
0xc4: {  	[sflag:s0] =	ssyncadd.remote.s32 $0x1  }
0xc5: {  	_ =	sfence.sel $0xFFFF  }
0xc6: {  	[dreg:$0x0] =	wrdreg $0xFFFFFFFF;
	(pc) =	sbr.abs _section_cstart, $3  }
0xc7: {  	[dreg:$0x1] =	wrdreg $0xFFFFFFFF  }
0xc8: {  	_ =	task.clear_ibuf [dreg:s8], $0x2FFFF;
	_ =	strace $0x9FFFFFFF  }
0xc9: {  	(tm) =	ssettm $0x7FFFFFFF  }
tec
execute0_lowered:
.L_overlay_start_1:
0x0: {  	(tag) =	ssettag $0x1  }
0x1: {  	s0 =	srdreg.scid;
	s2 =	stileid.u32  }
0x2: {  	s1 =	rddreg [dreg:$0x0];
	s4 =	simm.s32 $0x0;
	s8 =	simm.s32 $0xB  }
0x3: {  	s9 =	simm.s32 $0x80;
	s10 =	simm.s32 $0x1C00;
	s11 =	simm.s32 $0x5C00  }
0x4: {  	s13 =	simm.s32 $0x9C00;
	s15 =	simm.s32 $0xDC00;
	s17 =	simm.s32 $0x11C00  }
0x5: {  	s18 =	simm.s32 $0x1;
	s19 =	simm.s32 $0x6;
	s20 =	simm.s32 $0x2  }
0x6: {  	s28 =	simm.s32 $0x3;
	s29 =	simm.s32 $0x8;
	s30 =	simm.s32 $0x4  }
0x7: {  	s0 =	sand.u32 $0x1, s0;
	s3 =	sshll.u32 s2, $0x1;
	s2 =	rddreg [dreg:$0x1]  }
0x8: {  	s31 =	simm.s32 $0x9;
	[smem:$0x7FF] =	sst s4;
	s5 =	sor.u32 s0, s3  }
0x9: {  	s3 =	rddreg [dreg:$0x2];
	s0 =	ssub.s32 $0x2, s0;
	_ =	strace $0x80000047  }
0xa: {  	s6 =	smul.u32 $0x380, s5;
	s23 =	sshrl.u32 s0, $0x1;
	s24 =	sadd.s32 $0x2D0000, s3  }
0xb: {  	s25 =	sadd.s32 $0x2E0000, s3;
	s7 =	sadd.s32 $0x2F0000, s3;
	s12 =	sadd.s32 $0x300000, s3  }
0xc: {  	s14 =	sadd.s32 $0x310000, s3;
	s0 =	ssub.s32 s0, s23;
	s1 =	sadd.s32 s6, s1  }
0xd: {  	s6 =	sshll.u32 s5, $0xB;
	s0 =	smax.u32 s0, $0x1;
	s1 =	sadd.s32 $0x600, s1  }
0xe: {  	[dreg:$0x5] =	wrdreg s0;
	s26 =	sadd.s32 s6, s24;
	s22 =	sadd.s32 s6, s25  }
0xf: {  	s23 =	sadd.s32 s6, s7;
	s24 =	sadd.s32 s6, s12;
	s25 =	sadd.s32 s6, s14  }
0x10: {  	s0 =	simm.s32 $0xA;
	s12 =	simm.s32 $0x0;
	[dreg:$0x4] =	wrdreg s1  }
0x11: {  	[dreg:$0x6] =	wrdreg s26;
	s26 =	simm.s32 $0x7;
	s1 =	simm.s32 $0x5  }
.LBB2_1:
0x12: {  	s5 =	rddreg [dreg:$0x4]  }
0x13: {  	[tilespmem:s4], [sflag:$0xB] =	stream.linear.gather [hbm4b:s5+s4], $0x1900, $0x38;
	[tilespmem:$0x15C00] =	vst v63  }
0x14: {  	_ =	swait.ge [sflag:s8], $0x1900  }
0x15: {  	[sflag:s8] =	ssyncset.done $0x0  }
0x16: {  	[sflag:s8] =	ssyncadd.s32 $0xFFFFE700  }
0x17: {  	[tilespmem:s10], [sflag:$0x1] =	stream.indirect.gather [hbm4b:s2+s9], $0x80, s4, s9, $0xb8;
	[tilespmem:$0x15C00] =	vst v63  }
0x18: {  	_ = 	snop  }
0x19: {  	[tilespmem:s11], [sflag:$0x2] =	stream.indirect.gather [hbm4b:s2+s9], $0x80, s9, s9, $0xb8;
	[tilespmem:$0x15C00] =	vst v63  }
0x1a: {  	s14 =	simm.s32 $0x100  }
0x1b: {  	[tilespmem:s13], [sflag:$0x3] =	stream.indirect.gather [hbm4b:s2+s9], $0x80, s14, s9, $0xb8;
	[tilespmem:$0x15C00] =	vst v63  }
0x1c: {  	s16 =	simm.s32 $0x180  }
0x1d: {  	[tilespmem:s15], [sflag:$0x4] =	stream.indirect.gather [hbm4b:s2+s9], $0x80, s16, s9, $0xb8;
	[tilespmem:$0x15C00] =	vst v63  }
0x1e: {  	s21 =	simm.s32 $0x200  }
0x1f: {  	[tilespmem:s17], [sflag:$0x5] =	stream.indirect.gather [hbm4b:s2+s9], $0x80, s21, s9, $0xb8;
	[tilespmem:$0x15C00] =	vst v63  }
0x20: {  	_ =	swait.ge [sflag:s18], $0x4000  }
0x21: {  	s7 =	sadd.s32 $0x0, s3;
	[sflag:s18] =	ssyncset.done $0x0  }
0x22: {  	s5 =	sadd.s32 s6, s7;
	[sflag:s18] =	ssyncadd.s32 $0xFFFFC000  }
0x23: {  	[hbm4b:s5+s4] =	stream.linear.scatter [tilespmem:s10], [sflag:$0x6], $0x4000, $0x38;
	[tilespmem:$0x15C00] =	vst v63  }
0x24: {  	_ =	swait.ge [sflag:s19], $0x4000  }
0x25: {  	[sflag:s19] =	ssyncset.done $0x0  }
0x26: {  	s7 =	simm.s32 $0x280;
	[sflag:s19] =	ssyncadd.s32 $0xFFFFC000  }
0x27: {  	[tilespmem:s10], [sflag:$0x1] =	stream.indirect.gather [hbm4b:s2+s9], $0x80, s7, s9, $0xb8;
	[tilespmem:$0x15C00] =	vst v63  }
0x28: {  	_ =	swait.ge [sflag:s20], $0x4000  }
0x29: {  	[sflag:s20] =	ssyncset.done $0x0  }
0x2a: {  	s14 =	sadd.s32 $0x10000, s5;
	[sflag:s20] =	ssyncadd.s32 $0xFFFFC000  }
0x2b: {  	[hbm4b:s14+s4] =	stream.linear.scatter [tilespmem:s11], [sflag:$0x7], $0x4000, $0x38;
	[tilespmem:$0x15C00] =	vst v63  }
0x2c: {  	_ =	swait.ge [sflag:s26], $0x4000  }
0x2d: {  	[sflag:s26] =	ssyncset.done $0x0  }
0x2e: {  	s16 =	simm.s32 $0x300;
	[sflag:s26] =	ssyncadd.s32 $0xFFFFC000  }
0x2f: {  	[tilespmem:s11], [sflag:$0x2] =	stream.indirect.gather [hbm4b:s2+s9], $0x80, s16, s9, $0xb8;
	[tilespmem:$0x15C00] =	vst v63  }
0x30: {  	_ =	swait.ge [sflag:s28], $0x4000  }
0x31: {  	[sflag:s28] =	ssyncset.done $0x0  }
0x32: {  	s21 =	sadd.s32 $0x20000, s5;
	[sflag:s28] =	ssyncadd.s32 $0xFFFFC000  }
0x33: {  	[hbm4b:s21+s4] =	stream.linear.scatter [tilespmem:s13], [sflag:$0x8], $0x4000, $0x38;
	[tilespmem:$0x15C00] =	vst v63  }
0x34: {  	_ =	swait.ge [sflag:s29], $0x4000  }
0x35: {  	[sflag:s29] =	ssyncset.done $0x0  }
0x36: {  	s14 =	simm.s32 $0x380;
	[sflag:s29] =	ssyncadd.s32 $0xFFFFC000  }
0x37: {  	[tilespmem:s13], [sflag:$0x3] =	stream.indirect.gather [hbm4b:s2+s9], $0x80, s14, s9, $0xb8;
	[tilespmem:$0x15C00] =	vst v63  }
0x38: {  	_ =	swait.ge [sflag:s30], $0x4000  }
0x39: {  	[sflag:s30] =	ssyncset.done $0x0  }
0x3a: {  	s16 =	sadd.s32 $0x30000, s5;
	[sflag:s30] =	ssyncadd.s32 $0xFFFFC000  }
0x3b: {  	[hbm4b:s16+s4] =	stream.linear.scatter [tilespmem:s15], [sflag:$0x9], $0x4000, $0x38;
	[tilespmem:$0x15C00] =	vst v63  }
0x3c: {  	_ =	swait.ge [sflag:s31], $0x4000  }
0x3d: {  	[sflag:s31] =	ssyncset.done $0x0  }
0x3e: {  	s21 =	simm.s32 $0x400;
	[sflag:s31] =	ssyncadd.s32 $0xFFFFC000  }
0x3f: {  	[tilespmem:s15], [sflag:$0x4] =	stream.indirect.gather [hbm4b:s2+s9], $0x80, s21, s9, $0xb8;
	[tilespmem:$0x15C00] =	vst v63  }
0x40: {  	_ =	swait.ge [sflag:s1], $0x4000  }
0x41: {  	[sflag:s1] =	ssyncset.done $0x0  }
0x42: {  	s5 =	sadd.s32 $0x40000, s5;
	[sflag:s1] =	ssyncadd.s32 $0xFFFFC000  }
0x43: {  	[hbm4b:s5+s4] =	stream.linear.scatter [tilespmem:s17], [sflag:$0xA], $0x4000, $0x38;
	[tilespmem:$0x15C00] =	vst v63  }
0x44: {  	_ =	swait.ge [sflag:s0], $0x4000  }
0x45: {  	s14 =	simm.s32 $0x480;
	[sflag:s0] =	ssyncset.done $0x0  }
0x46: {  	s16 =	simm.s32 $0x50000;
	s5 =	simm.s32 $0x700;
	[sflag:s0] =	ssyncadd.s32 $0xFFFFC000  }
.LBB2_2:
0x47: {  	[tilespmem:s17], [sflag:$0x5] =	stream.indirect.gather [hbm4b:s2+s9], $0x80, s14, s9, $0xb8;
	[tilespmem:$0x15C00] =	vst v63  }
0x48: {  	s7 =	smov.u32 s16;
	s14 =	smov.u32 s5  }
0x49: {  	p0 =	sne.s32 s16, $0x280000;
	s16 =	sadd.s32 $0x50000, s16;
	_ =	swait.ge [sflag:s18], $0x4000  }
0x4a: {  	s7 =	sadd.s32 s7, s3;
	[sflag:s18] =	ssyncset.done $0x0  }
0x4b: {  	s7 =	sadd.s32 s6, s7;
	[sflag:s18] =	ssyncadd.s32 $0xFFFFC000  }
0x4c: {  	[hbm4b:s7+s4] =	stream.linear.scatter [tilespmem:s10], [sflag:$0x6], $0x4000, $0x38;
	[tilespmem:$0x15C00] =	vst v63  }
0x4d: {  	_ =	swait.ge [sflag:s19], $0x4000  }
0x4e: {  	[sflag:s19] =	ssyncset.done $0x0  }
0x4f: {  	s21 =	sadd.s32 $0xFFFFFE00, s5;
	[sflag:s19] =	ssyncadd.s32 $0xFFFFC000  }
0x50: {  	[tilespmem:s10], [sflag:$0x1] =	stream.indirect.gather [hbm4b:s2+s9], $0x80, s21, s9, $0xb8;
	[tilespmem:$0x15C00] =	vst v63  }
0x51: {  	_ =	swait.ge [sflag:s20], $0x4000  }
0x52: {  	[sflag:s20] =	ssyncset.done $0x0  }
0x53: {  	s21 =	sadd.s32 $0x10000, s7;
	[sflag:s20] =	ssyncadd.s32 $0xFFFFC000  }
0x54: {  	[hbm4b:s21+s4] =	stream.linear.scatter [tilespmem:s11], [sflag:$0x7], $0x4000, $0x38;
	[tilespmem:$0x15C00] =	vst v63  }
0x55: {  	_ =	swait.ge [sflag:s26], $0x4000  }
0x56: {  	[sflag:s26] =	ssyncset.done $0x0  }
0x57: {  	s21 =	sadd.s32 $0xFFFFFE80, s5;
	[sflag:s26] =	ssyncadd.s32 $0xFFFFC000  }
0x58: {  	[tilespmem:s11], [sflag:$0x2] =	stream.indirect.gather [hbm4b:s2+s9], $0x80, s21, s9, $0xb8;
	[tilespmem:$0x15C00] =	vst v63  }
0x59: {  	_ =	swait.ge [sflag:s28], $0x4000  }
0x5a: {  	[sflag:s28] =	ssyncset.done $0x0  }
0x5b: {  	s21 =	sadd.s32 $0x20000, s7;
	[sflag:s28] =	ssyncadd.s32 $0xFFFFC000  }
0x5c: {  	[hbm4b:s21+s4] =	stream.linear.scatter [tilespmem:s13], [sflag:$0x8], $0x4000, $0x38;
	[tilespmem:$0x15C00] =	vst v63  }
0x5d: {  	_ =	swait.ge [sflag:s29], $0x4000  }
0x5e: {  	[sflag:s29] =	ssyncset.done $0x0  }
0x5f: {  	s21 =	sadd.s32 $0xFFFFFF00, s5;
	[sflag:s29] =	ssyncadd.s32 $0xFFFFC000  }
0x60: {  	[tilespmem:s13], [sflag:$0x3] =	stream.indirect.gather [hbm4b:s2+s9], $0x80, s21, s9, $0xb8;
	[tilespmem:$0x15C00] =	vst v63  }
0x61: {  	_ =	swait.ge [sflag:s30], $0x4000  }
0x62: {  	[sflag:s30] =	ssyncset.done $0x0  }
0x63: {  	s21 =	sadd.s32 $0x30000, s7;
	[sflag:s30] =	ssyncadd.s32 $0xFFFFC000  }
0x64: {  	[hbm4b:s21+s4] =	stream.linear.scatter [tilespmem:s15], [sflag:$0x9], $0x4000, $0x38;
	[tilespmem:$0x15C00] =	vst v63  }
0x65: {  	_ =	swait.ge [sflag:s31], $0x4000  }
0x66: {  	[sflag:s31] =	ssyncset.done $0x0  }
0x67: {  	s21 =	sadd.s32 $0xFFFFFF80, s5;
	[sflag:s31] =	ssyncadd.s32 $0xFFFFC000  }
0x68: {  	[tilespmem:s15], [sflag:$0x4] =	stream.indirect.gather [hbm4b:s2+s9], $0x80, s21, s9, $0xb8;
	[tilespmem:$0x15C00] =	vst v63  }
0x69: {  	_ =	swait.ge [sflag:s1], $0x4000  }
0x6a: {  	[sflag:s1] =	ssyncset.done $0x0  }
.Ltmp0:
0x6b: {  	s7 =	sadd.s32 $0x40000, s7;
	[sflag:s1] =	ssyncadd.s32 $0xFFFFC000;
	(pc) =	sbr.rel @p0 .LBB2_2-.Ltmp0, $4  }
0x6c: {  	[hbm4b:s7+s4] =	stream.linear.scatter [tilespmem:s17], [sflag:$0xA], $0x4000, $0x38;
	[tilespmem:$0x15C00] =	vst v63  }
0x6d: {  	_ =	swait.ge [sflag:s0], $0x4000  }
0x6e: {  	[sflag:s0] =	ssyncset.done $0x0  }
0x6f: {  	s5 =	sadd.s32 $0x280, s5;
	[sflag:s0] =	ssyncadd.s32 $0xFFFFC000  }
0x70: {  	[tilespmem:s17], [sflag:$0x5] =	stream.indirect.gather [hbm4b:s2+s9], $0x80, s14, s9, $0xb8;
	[tilespmem:$0x15C00] =	vst v63  }
0x71: {  	_ =	swait.ge [sflag:s18], $0x4000  }
0x72: {  	[sflag:s18] =	ssyncset.done $0x0  }
0x73: {  	s5 =	rddreg [dreg:$0x6];
	[sflag:s18] =	ssyncadd.s32 $0xFFFFC000  }
0x74: {  	[hbm4b:s5+s4] =	stream.linear.scatter [tilespmem:s10], [sflag:$0x6], $0x4000, $0x38;
	[tilespmem:$0x15C00] =	vst v63  }
0x75: {  	_ =	swait.ge [sflag:s20], $0x4000  }
0x76: {  	[sflag:s20] =	ssyncset.done $0x0  }
0x77: {  	[sflag:s20] =	ssyncadd.s32 $0xFFFFC000  }
0x78: {  	[hbm4b:s22+s4] =	stream.linear.scatter [tilespmem:s11], [sflag:$0x7], $0x4000, $0x38;
	[tilespmem:$0x15C00] =	vst v63  }
0x79: {  	_ =	swait.ge [sflag:s28], $0x4000  }
0x7a: {  	[sflag:s28] =	ssyncset.done $0x0  }
0x7b: {  	[sflag:s28] =	ssyncadd.s32 $0xFFFFC000  }
0x7c: {  	[hbm4b:s23+s4] =	stream.linear.scatter [tilespmem:s13], [sflag:$0x8], $0x4000, $0x38;
	[tilespmem:$0x15C00] =	vst v63  }
0x7d: {  	_ =	swait.ge [sflag:s30], $0x4000  }
0x7e: {  	[sflag:s30] =	ssyncset.done $0x0  }
0x7f: {  	[sflag:s30] =	ssyncadd.s32 $0xFFFFC000  }
0x80: {  	[hbm4b:s24+s4] =	stream.linear.scatter [tilespmem:s15], [sflag:$0x9], $0x4000, $0x38;
	[tilespmem:$0x15C00] =	vst v63  }
0x81: {  	_ =	swait.ge [sflag:s1], $0x4000  }
0x82: {  	[sflag:s1] =	ssyncset.done $0x0  }
0x83: {  	[sflag:s1] =	ssyncadd.s32 $0xFFFFC000  }
0x84: {  	[hbm4b:s25+s4] =	stream.linear.scatter [tilespmem:s17], [sflag:$0xA], $0x4000, $0x38;
	[tilespmem:$0x15C00] =	vst v63  }
0x85: {  	_ =	swait.ge [sflag:s19], $0x4000  }
0x86: {  	[sflag:s19] =	ssyncset.done $0x0  }
0x87: {  	[sflag:s19] =	ssyncadd.s32 $0xFFFFC000  }
0x88: {  	_ =	swait.ge [sflag:s26], $0x4000  }
0x89: {  	[sflag:s26] =	ssyncset.done $0x0  }
0x8a: {  	[sflag:s26] =	ssyncadd.s32 $0xFFFFC000  }
0x8b: {  	_ =	swait.ge [sflag:s29], $0x4000  }
0x8c: {  	[sflag:s29] =	ssyncset.done $0x0  }
0x8d: {  	[sflag:s29] =	ssyncadd.s32 $0xFFFFC000  }
0x8e: {  	_ =	swait.ge [sflag:s31], $0x4000  }
0x8f: {  	[sflag:s31] =	ssyncset.done $0x0  }
0x90: {  	[sflag:s31] =	ssyncadd.s32 $0xFFFFC000  }
0x91: {  	_ =	swait.ge [sflag:s0], $0x4000  }
0x92: {  	s12 =	sadd.s32 $0x1, s12;
	s21 =	rddreg [dreg:$0x5]  }
0x93: {  	p0 =	sne.s32 s12, s21  }
.Ltmp1:
0x94: {  	_ = 	snop;
	(pc) =	sbr.rel @p0 .LBB2_1-.Ltmp1, $3  }
0x95: {  	_ =	sdelay $0x1  }
0x96: {  	[sflag:s0] =	ssyncset.done $0x0  }
0x97: {  	[sflag:s0] =	ssyncadd.s32 $0xFFFFC000  }
0x98: {  	_ =	sfence.sel $0x180000  }
0x99: {  	[bflag:$0x0] =	sbarrier.arrive $0xFFFF  }
0x9a: {  	_ =	strace $0x90000047  }
0x9b: {  	s0 =	stileid.u32;
	[bflag:$0x2] =	sbarrier.arrive $0xFFFF  }
0x9c: {  	p0 =	sne.s32 s0, $0x0;
	s0 =	rddreg [dreg:$0x3]  }
0x9d: {  	s0 =	sadd.s32 @!p0 $0x100000, s0  }
0x9e: {  	[sflag:s0] =	ssyncadd.tile.s32 @!p0 $0x1;
	_ =	shalt  }
.Lfunc_end2:
_tile_overlayer_lowered:
.L_overlay_start_2:
0x9f: {  	(tag) =	ssettag $0x2  }
0xa0: {  	s0 =	rddreg [dreg:$0x0];
	s2 =	stileid.u32  }
0xa1: {  	s1 =	rddreg [dreg:$0x1];
	p0 =	sne.s32 s2, $0x0  }
0xa2: {  	s3 =	rddreg [dreg:$0x2];
	[bflag:$0x3] =	sbarrier.arrive $0xFFFF;
	s2 =	simm.s32 @!p0 $0x1C0B  }
0xa3: {  	[timem:s3], [sflag:s2] =	dma.local @!p0 [hbm:s0], s1  }
0xa4: {  	s0 =	simm.s32 @!p0 $0xB  }
0xa5: {  	_ =	swait.ge @!p0 [sflag:s0], s1  }
0xa6: {  	s1 =	ssub.s32 @!p0 $0x0, s1;
	[sflag:s0] =	ssyncset.done @!p0 $0x0  }
0xa7: {  	[sflag:s0] =	ssyncadd.s32 @!p0 s1  }
0xa8: {  	[bflag:$0x3] =	sbarrier.arrive $0xFFFF  }
0xa9: {  	_ =	shalt  }

</sc_bundles>
